<compile_context>
chip_gen: v7x
topology: tpu7x:2x2x1
jax: 0.10.2.dev20260603
libtpu: 0.0.44.dev20260713+nightly
codegen_flags: <defaults>
</compile_context>

<pallas_src>
import functools

import jax
import jax.numpy as jnp
from jax import lax
from jax.experimental import pallas as pl
from jax.experimental.pallas import tpu as pltpu
from jax.experimental.pallas import tpu_sc as plsc

_NC = 2
_NS = 16
_NW = _NC * _NS
_CH = 128
_NBUF = 10


def _sc_embedding_gather(table, ids3):
    nw, n_chunks, ch = ids3.shape
    d = table.shape[1]
    b = nw * n_chunks * ch
    rows_per_w = n_chunks * ch
    n_rounds = n_chunks // _NBUF
    assert n_chunks % _NBUF == 0
    mesh = plsc.VectorSubcoreMesh(core_axis_name="c", subcore_axis_name="s")

    @functools.partial(
        pl.kernel,
        mesh=mesh,
        out_type=jax.ShapeDtypeStruct((b, d), jnp.float32),
        scratch_types=(
            [pltpu.VMEM((n_chunks, ch), jnp.int32)]
            + [pltpu.VMEM((ch, d), jnp.float32) for _ in range(_NBUF)]
            + [pltpu.SemaphoreType.DMA for _ in range(2 * _NBUF)]
        ),
        compiler_params=pltpu.CompilerParams(use_tc_tiling_on_sc=False),
    )
    def k(table_hbm, idx_hbm, out_hbm, idx_v, *scratch):
        bufs = scratch[:_NBUF]
        sem_g = scratch[_NBUF:2 * _NBUF]
        sem_w = scratch[2 * _NBUF:]
        wid = lax.axis_index("s") * _NC + lax.axis_index("c")
        base = wid * rows_per_w
        pltpu.sync_copy(idx_hbm.at[wid], idx_v)

        def fire_gather(slot, c):
            pltpu.async_copy(table_hbm.at[idx_v.at[c]], bufs[slot], sem_g[slot])

        for slot in range(_NBUF):
            fire_gather(slot, slot)

        def round_body(g, carry):
            cbase = g * _NBUF
            for slot in range(_NBUF):
                pltpu.make_async_copy(
                    table_hbm.at[idx_v.at[cbase + slot]], bufs[slot], sem_g[slot]
                ).wait()
                pltpu.async_copy(
                    bufs[slot],
                    out_hbm.at[pl.ds(base + (cbase + slot) * ch, ch)],
                    sem_w[slot],
                )
            for slot in range(_NBUF):
                pltpu.make_async_copy(
                    bufs[slot],
                    out_hbm.at[pl.ds(base + (cbase + slot) * ch, ch)],
                    sem_w[slot],
                ).wait()

                @pl.when(g < n_rounds - 1)
                def _():
                    fire_gather(slot, cbase + _NBUF + slot)

            return carry

        lax.fori_loop(0, n_rounds, round_body, 0)

    return k(table, ids3)


def kernel(token_ids, embedding_table):
    batch, hist = token_ids.shape
    d = embedding_table.shape[1]
    ids = token_ids.reshape(_NW, -1, _CH).astype(jnp.int32)
    out = _sc_embedding_gather(embedding_table, ids)
    return out.reshape(batch, hist, d)

# --- scband reference (transcript-rebuilt; emitter-appended) ---
"""Pipeline reference for scband-embedding-87823491269217 (READ-ONLY COPY).

The authoritative reference and input builder live on the scoring server;
editing this copy changes nothing except your own understanding.
"""

import jax, jax.numpy as jnp
import numpy as np

VOCAB = 1000000
EMBED_DIM = 64
BATCH = 16384
HIST = 50

def setup_inputs(seed: int = 0) -> dict:
    key = jax.random.key(seed)
    k_idx, k_tab = jax.random.split(key)
    token_ids = jax.random.randint(k_idx, (BATCH, HIST), 0, VOCAB, dtype=jnp.int64 if jax.config.jax_enable_x64 else jnp.int32)
    embedding_table = jnp.clip(jax.random.normal(k_tab, (VOCAB, EMBED_DIM), dtype=jnp.float32), -3.0, 3.0)
    return {"token_ids": token_ids, "embedding_table": embedding_table}

def reference(token_ids, embedding_table):
    # Faithful translation of: self.embedding_table[token_ids]
    return jnp.take(embedding_table, token_ids, axis=0)

if __name__ == "__main__":
    import jax
    _d = setup_inputs()
    print(jax.jit(kernel)(*tuple(_d.values())))

</pallas_src>

<mosaic_0001>
#map = affine_map<(d0, d1) -> (0, 0)>
#map1 = affine_map<(d0, d1) -> (0, 0, 0)>
module attributes {stable_mosaic.version = 14 : i64} {
  func.func @k(%arg0: i32, %arg1: i32, %arg2: memref<1000000x64xf32, #tpu.memory_space<hbm>>, %arg3: memref<32x200x128xi32, #tpu.memory_space<hbm>>, %arg4: memref<819200x64xf32, #tpu.memory_space<hbm>>, %arg5: memref<200x128xi32, #tpu.memory_space<vmem>>, %arg6: memref<128x64xf32, #tpu.memory_space<vmem>>, %arg7: memref<128x64xf32, #tpu.memory_space<vmem>>, %arg8: memref<128x64xf32, #tpu.memory_space<vmem>>, %arg9: memref<128x64xf32, #tpu.memory_space<vmem>>, %arg10: memref<128x64xf32, #tpu.memory_space<vmem>>, %arg11: memref<128x64xf32, #tpu.memory_space<vmem>>, %arg12: memref<128x64xf32, #tpu.memory_space<vmem>>, %arg13: memref<128x64xf32, #tpu.memory_space<vmem>>, %arg14: memref<128x64xf32, #tpu.memory_space<vmem>>, %arg15: memref<128x64xf32, #tpu.memory_space<vmem>>, %arg16: memref<!tpu.dma_semaphore, #tpu.memory_space<semaphore_mem>>, %arg17: memref<!tpu.dma_semaphore, #tpu.memory_space<semaphore_mem>>, %arg18: memref<!tpu.dma_semaphore, #tpu.memory_space<semaphore_mem>>, %arg19: memref<!tpu.dma_semaphore, #tpu.memory_space<semaphore_mem>>, %arg20: memref<!tpu.dma_semaphore, #tpu.memory_space<semaphore_mem>>, %arg21: memref<!tpu.dma_semaphore, #tpu.memory_space<semaphore_mem>>, %arg22: memref<!tpu.dma_semaphore, #tpu.memory_space<semaphore_mem>>, %arg23: memref<!tpu.dma_semaphore, #tpu.memory_space<semaphore_mem>>, %arg24: memref<!tpu.dma_semaphore, #tpu.memory_space<semaphore_mem>>, %arg25: memref<!tpu.dma_semaphore, #tpu.memory_space<semaphore_mem>>, %arg26: memref<!tpu.dma_semaphore, #tpu.memory_space<semaphore_mem>>, %arg27: memref<!tpu.dma_semaphore, #tpu.memory_space<semaphore_mem>>, %arg28: memref<!tpu.dma_semaphore, #tpu.memory_space<semaphore_mem>>, %arg29: memref<!tpu.dma_semaphore, #tpu.memory_space<semaphore_mem>>, %arg30: memref<!tpu.dma_semaphore, #tpu.memory_space<semaphore_mem>>, %arg31: memref<!tpu.dma_semaphore, #tpu.memory_space<semaphore_mem>>, %arg32: memref<!tpu.dma_semaphore, #tpu.memory_space<semaphore_mem>>, %arg33: memref<!tpu.dma_semaphore, #tpu.memory_space<semaphore_mem>>, %arg34: memref<!tpu.dma_semaphore, #tpu.memory_space<semaphore_mem>>, %arg35: memref<!tpu.dma_semaphore, #tpu.memory_space<semaphore_mem>>) attributes {dimension_semantics = [#tpu.dimension_semantics<core_parallel>, #tpu.dimension_semantics<subcore_parallel>], iteration_bounds = array<i64: 2, 16>, scalar_prefetch = 0 : i64, scratch_operands = 31 : i64, tpu.core_type = #tpu.core_type<sc_vector_subcore>, window_params = [{transform_indices = #map}, {transform_indices = #map1}, {transform_indices = #map}]} {
    %mul3A = arith.constant 2 : i32
    %mul3A_0 = arith.muli %arg1, %mul3A : i32
    %add3A = arith.addi %mul3A_0, %arg0 : i32
    %mul3A_1 = arith.constant 25600 : i32
    %mul3A_2 = arith.muli %add3A, %mul3A_1 : i32
    "tpu.region"() ({
      %run_scoped3A = tpu.sem_alloc : memref<!tpu.dma_semaphore, #tpu.memory_space<semaphore_mem>>
      %dma_start3A_77 = arith.constant 0 : i32
      %dma_start3A_78 = arith.constant 0 : i32
      %dma_start3A_79 = tpu.memref_slice %arg3[%add3A, %dma_start3A_77, %dma_start3A_78] : memref<32x200x128xi32, #tpu.memory_space<hbm>> -> memref<1x200x128xi32, #tpu.memory_space<hbm>>
      %dma_start3A_80 = tpu.memref_squeeze %dma_start3A_79 : memref<1x200x128xi32, #tpu.memory_space<hbm>> -> memref<200x128xi32, #tpu.memory_space<hbm>>
      %dma_start3A_81 = arith.constant 0 : i32
      %dma_start3A_82 = arith.constant 0 : i32
      %dma_start3A_83 = tpu.memref_slice %arg3[%add3A, %dma_start3A_81, %dma_start3A_82] : memref<32x200x128xi32, #tpu.memory_space<hbm>> -> memref<1x200x128xi32, #tpu.memory_space<hbm>>
      %dma_start3A_84 = tpu.memref_squeeze %dma_start3A_83 : memref<1x200x128xi32, #tpu.memory_space<hbm>> -> memref<200x128xi32, #tpu.memory_space<hbm>>
      tpu.enqueue_dma source(%dma_start3A_84 : memref<200x128xi32, #tpu.memory_space<hbm>>) target(%arg5 : memref<200x128xi32, #tpu.memory_space<vmem>>) target_semaphore(%run_scoped3A : memref<!tpu.dma_semaphore, #tpu.memory_space<semaphore_mem>>)
      %dma_wait3A = arith.constant 0 : i32
      %dma_wait3A_85 = arith.constant 0 : i32
      %dma_wait3A_86 = tpu.memref_slice %arg3[%add3A, %dma_wait3A, %dma_wait3A_85] : memref<32x200x128xi32, #tpu.memory_space<hbm>> -> memref<1x200x128xi32, #tpu.memory_space<hbm>>
      %dma_wait3A_87 = tpu.memref_squeeze %dma_wait3A_86 : memref<1x200x128xi32, #tpu.memory_space<hbm>> -> memref<200x128xi32, #tpu.memory_space<hbm>>
      %dma_wait3A_88 = arith.constant 0 : i32
      %dma_wait3A_89 = arith.constant 0 : i32
      %dma_wait3A_90 = tpu.memref_slice %arg3[%add3A, %dma_wait3A_88, %dma_wait3A_89] : memref<32x200x128xi32, #tpu.memory_space<hbm>> -> memref<1x200x128xi32, #tpu.memory_space<hbm>>
      %dma_wait3A_91 = tpu.memref_squeeze %dma_wait3A_90 : memref<1x200x128xi32, #tpu.memory_space<hbm>> -> memref<200x128xi32, #tpu.memory_space<hbm>>
      tpu.wait_dma2 semaphore(%run_scoped3A : memref<!tpu.dma_semaphore, #tpu.memory_space<semaphore_mem>>) src(%dma_wait3A_91 : memref<200x128xi32, #tpu.memory_space<hbm>>) dst(%arg5 : memref<200x128xi32, #tpu.memory_space<vmem>>)
      tpu.yield
    }) : () -> ()
    %dma_start3A = arith.constant 0 : i32
    %dma_start3A_3 = arith.constant 0 : i32
    %dma_start3A_4 = tpu.memref_slice %arg5[%dma_start3A, %dma_start3A_3] : memref<200x128xi32, #tpu.memory_space<vmem>> -> memref<1x128xi32, #tpu.memory_space<vmem>>
    %dma_start3A_5 = tpu.memref_squeeze %dma_start3A_4 : memref<1x128xi32, #tpu.memory_space<vmem>> -> memref<128xi32, #tpu.memory_space<vmem>>
    %dma_start3A_6 = arith.constant 0 : i32
    %dma_start3A_7 = arith.constant 0 : i32
    %dma_start3A_8 = tpu.memref_slice %arg2[%dma_start3A_6, %dma_start3A_7] : memref<1000000x64xf32, #tpu.memory_space<hbm>> -> memref<1000000x64xf32, #tpu.memory_space<hbm>>
    tpu.enqueue_indirect_dma source(%dma_start3A_8 : memref<1000000x64xf32, #tpu.memory_space<hbm>>) target(%arg6 : memref<128x64xf32, #tpu.memory_space<vmem>>) offsets(%dma_start3A_5 : memref<128xi32, #tpu.memory_space<vmem>>) semaphore(%arg16 : memref<!tpu.dma_semaphore, #tpu.memory_space<semaphore_mem>>)
    %dma_start3A_9 = arith.constant 1 : i32
    %dma_start3A_10 = arith.constant 0 : i32
    %dma_start3A_11 = tpu.memref_slice %arg5[%dma_start3A_9, %dma_start3A_10] : memref<200x128xi32, #tpu.memory_space<vmem>> -> memref<1x128xi32, #tpu.memory_space<vmem>>
    %dma_start3A_12 = tpu.memref_squeeze %dma_start3A_11 : memref<1x128xi32, #tpu.memory_space<vmem>> -> memref<128xi32, #tpu.memory_space<vmem>>
    %dma_start3A_13 = arith.constant 0 : i32
    %dma_start3A_14 = arith.constant 0 : i32
    %dma_start3A_15 = tpu.memref_slice %arg2[%dma_start3A_13, %dma_start3A_14] : memref<1000000x64xf32, #tpu.memory_space<hbm>> -> memref<1000000x64xf32, #tpu.memory_space<hbm>>
    tpu.enqueue_indirect_dma source(%dma_start3A_15 : memref<1000000x64xf32, #tpu.memory_space<hbm>>) target(%arg7 : memref<128x64xf32, #tpu.memory_space<vmem>>) offsets(%dma_start3A_12 : memref<128xi32, #tpu.memory_space<vmem>>) semaphore(%arg17 : memref<!tpu.dma_semaphore, #tpu.memory_space<semaphore_mem>>)
    %dma_start3A_16 = arith.constant 2 : i32
    %dma_start3A_17 = arith.constant 0 : i32
    %dma_start3A_18 = tpu.memref_slice %arg5[%dma_start3A_16, %dma_start3A_17] : memref<200x128xi32, #tpu.memory_space<vmem>> -> memref<1x128xi32, #tpu.memory_space<vmem>>
    %dma_start3A_19 = tpu.memref_squeeze %dma_start3A_18 : memref<1x128xi32, #tpu.memory_space<vmem>> -> memref<128xi32, #tpu.memory_space<vmem>>
    %dma_start3A_20 = arith.constant 0 : i32
    %dma_start3A_21 = arith.constant 0 : i32
    %dma_start3A_22 = tpu.memref_slice %arg2[%dma_start3A_20, %dma_start3A_21] : memref<1000000x64xf32, #tpu.memory_space<hbm>> -> memref<1000000x64xf32, #tpu.memory_space<hbm>>
    tpu.enqueue_indirect_dma source(%dma_start3A_22 : memref<1000000x64xf32, #tpu.memory_space<hbm>>) target(%arg8 : memref<128x64xf32, #tpu.memory_space<vmem>>) offsets(%dma_start3A_19 : memref<128xi32, #tpu.memory_space<vmem>>) semaphore(%arg18 : memref<!tpu.dma_semaphore, #tpu.memory_space<semaphore_mem>>)
    %dma_start3A_23 = arith.constant 3 : i32
    %dma_start3A_24 = arith.constant 0 : i32
    %dma_start3A_25 = tpu.memref_slice %arg5[%dma_start3A_23, %dma_start3A_24] : memref<200x128xi32, #tpu.memory_space<vmem>> -> memref<1x128xi32, #tpu.memory_space<vmem>>
    %dma_start3A_26 = tpu.memref_squeeze %dma_start3A_25 : memref<1x128xi32, #tpu.memory_space<vmem>> -> memref<128xi32, #tpu.memory_space<vmem>>
    %dma_start3A_27 = arith.constant 0 : i32
    %dma_start3A_28 = arith.constant 0 : i32
    %dma_start3A_29 = tpu.memref_slice %arg2[%dma_start3A_27, %dma_start3A_28] : memref<1000000x64xf32, #tpu.memory_space<hbm>> -> memref<1000000x64xf32, #tpu.memory_space<hbm>>
    tpu.enqueue_indirect_dma source(%dma_start3A_29 : memref<1000000x64xf32, #tpu.memory_space<hbm>>) target(%arg9 : memref<128x64xf32, #tpu.memory_space<vmem>>) offsets(%dma_start3A_26 : memref<128xi32, #tpu.memory_space<vmem>>) semaphore(%arg19 : memref<!tpu.dma_semaphore, #tpu.memory_space<semaphore_mem>>)
    %dma_start3A_30 = arith.constant 4 : i32
    %dma_start3A_31 = arith.constant 0 : i32
    %dma_start3A_32 = tpu.memref_slice %arg5[%dma_start3A_30, %dma_start3A_31] : memref<200x128xi32, #tpu.memory_space<vmem>> -> memref<1x128xi32, #tpu.memory_space<vmem>>
    %dma_start3A_33 = tpu.memref_squeeze %dma_start3A_32 : memref<1x128xi32, #tpu.memory_space<vmem>> -> memref<128xi32, #tpu.memory_space<vmem>>
    %dma_start3A_34 = arith.constant 0 : i32
    %dma_start3A_35 = arith.constant 0 : i32
    %dma_start3A_36 = tpu.memref_slice %arg2[%dma_start3A_34, %dma_start3A_35] : memref<1000000x64xf32, #tpu.memory_space<hbm>> -> memref<1000000x64xf32, #tpu.memory_space<hbm>>
    tpu.enqueue_indirect_dma source(%dma_start3A_36 : memref<1000000x64xf32, #tpu.memory_space<hbm>>) target(%arg10 : memref<128x64xf32, #tpu.memory_space<vmem>>) offsets(%dma_start3A_33 : memref<128xi32, #tpu.memory_space<vmem>>) semaphore(%arg20 : memref<!tpu.dma_semaphore, #tpu.memory_space<semaphore_mem>>)
    %dma_start3A_37 = arith.constant 5 : i32
    %dma_start3A_38 = arith.constant 0 : i32
    %dma_start3A_39 = tpu.memref_slice %arg5[%dma_start3A_37, %dma_start3A_38] : memref<200x128xi32, #tpu.memory_space<vmem>> -> memref<1x128xi32, #tpu.memory_space<vmem>>
    %dma_start3A_40 = tpu.memref_squeeze %dma_start3A_39 : memref<1x128xi32, #tpu.memory_space<vmem>> -> memref<128xi32, #tpu.memory_space<vmem>>
    %dma_start3A_41 = arith.constant 0 : i32
    %dma_start3A_42 = arith.constant 0 : i32
    %dma_start3A_43 = tpu.memref_slice %arg2[%dma_start3A_41, %dma_start3A_42] : memref<1000000x64xf32, #tpu.memory_space<hbm>> -> memref<1000000x64xf32, #tpu.memory_space<hbm>>
    tpu.enqueue_indirect_dma source(%dma_start3A_43 : memref<1000000x64xf32, #tpu.memory_space<hbm>>) target(%arg11 : memref<128x64xf32, #tpu.memory_space<vmem>>) offsets(%dma_start3A_40 : memref<128xi32, #tpu.memory_space<vmem>>) semaphore(%arg21 : memref<!tpu.dma_semaphore, #tpu.memory_space<semaphore_mem>>)
    %dma_start3A_44 = arith.constant 6 : i32
    %dma_start3A_45 = arith.constant 0 : i32
    %dma_start3A_46 = tpu.memref_slice %arg5[%dma_start3A_44, %dma_start3A_45] : memref<200x128xi32, #tpu.memory_space<vmem>> -> memref<1x128xi32, #tpu.memory_space<vmem>>
    %dma_start3A_47 = tpu.memref_squeeze %dma_start3A_46 : memref<1x128xi32, #tpu.memory_space<vmem>> -> memref<128xi32, #tpu.memory_space<vmem>>
    %dma_start3A_48 = arith.constant 0 : i32
    %dma_start3A_49 = arith.constant 0 : i32
    %dma_start3A_50 = tpu.memref_slice %arg2[%dma_start3A_48, %dma_start3A_49] : memref<1000000x64xf32, #tpu.memory_space<hbm>> -> memref<1000000x64xf32, #tpu.memory_space<hbm>>
    tpu.enqueue_indirect_dma source(%dma_start3A_50 : memref<1000000x64xf32, #tpu.memory_space<hbm>>) target(%arg12 : memref<128x64xf32, #tpu.memory_space<vmem>>) offsets(%dma_start3A_47 : memref<128xi32, #tpu.memory_space<vmem>>) semaphore(%arg22 : memref<!tpu.dma_semaphore, #tpu.memory_space<semaphore_mem>>)
    %dma_start3A_51 = arith.constant 7 : i32
    %dma_start3A_52 = arith.constant 0 : i32
    %dma_start3A_53 = tpu.memref_slice %arg5[%dma_start3A_51, %dma_start3A_52] : memref<200x128xi32, #tpu.memory_space<vmem>> -> memref<1x128xi32, #tpu.memory_space<vmem>>
    %dma_start3A_54 = tpu.memref_squeeze %dma_start3A_53 : memref<1x128xi32, #tpu.memory_space<vmem>> -> memref<128xi32, #tpu.memory_space<vmem>>
    %dma_start3A_55 = arith.constant 0 : i32
    %dma_start3A_56 = arith.constant 0 : i32
    %dma_start3A_57 = tpu.memref_slice %arg2[%dma_start3A_55, %dma_start3A_56] : memref<1000000x64xf32, #tpu.memory_space<hbm>> -> memref<1000000x64xf32, #tpu.memory_space<hbm>>
    tpu.enqueue_indirect_dma source(%dma_start3A_57 : memref<1000000x64xf32, #tpu.memory_space<hbm>>) target(%arg13 : memref<128x64xf32, #tpu.memory_space<vmem>>) offsets(%dma_start3A_54 : memref<128xi32, #tpu.memory_space<vmem>>) semaphore(%arg23 : memref<!tpu.dma_semaphore, #tpu.memory_space<semaphore_mem>>)
    %dma_start3A_58 = arith.constant 8 : i32
    %dma_start3A_59 = arith.constant 0 : i32
    %dma_start3A_60 = tpu.memref_slice %arg5[%dma_start3A_58, %dma_start3A_59] : memref<200x128xi32, #tpu.memory_space<vmem>> -> memref<1x128xi32, #tpu.memory_space<vmem>>
    %dma_start3A_61 = tpu.memref_squeeze %dma_start3A_60 : memref<1x128xi32, #tpu.memory_space<vmem>> -> memref<128xi32, #tpu.memory_space<vmem>>
    %dma_start3A_62 = arith.constant 0 : i32
    %dma_start3A_63 = arith.constant 0 : i32
    %dma_start3A_64 = tpu.memref_slice %arg2[%dma_start3A_62, %dma_start3A_63] : memref<1000000x64xf32, #tpu.memory_space<hbm>> -> memref<1000000x64xf32, #tpu.memory_space<hbm>>
    tpu.enqueue_indirect_dma source(%dma_start3A_64 : memref<1000000x64xf32, #tpu.memory_space<hbm>>) target(%arg14 : memref<128x64xf32, #tpu.memory_space<vmem>>) offsets(%dma_start3A_61 : memref<128xi32, #tpu.memory_space<vmem>>) semaphore(%arg24 : memref<!tpu.dma_semaphore, #tpu.memory_space<semaphore_mem>>)
    %dma_start3A_65 = arith.constant 9 : i32
    %dma_start3A_66 = arith.constant 0 : i32
    %dma_start3A_67 = tpu.memref_slice %arg5[%dma_start3A_65, %dma_start3A_66] : memref<200x128xi32, #tpu.memory_space<vmem>> -> memref<1x128xi32, #tpu.memory_space<vmem>>
    %dma_start3A_68 = tpu.memref_squeeze %dma_start3A_67 : memref<1x128xi32, #tpu.memory_space<vmem>> -> memref<128xi32, #tpu.memory_space<vmem>>
    %dma_start3A_69 = arith.constant 0 : i32
    %dma_start3A_70 = arith.constant 0 : i32
    %dma_start3A_71 = tpu.memref_slice %arg2[%dma_start3A_69, %dma_start3A_70] : memref<1000000x64xf32, #tpu.memory_space<hbm>> -> memref<1000000x64xf32, #tpu.memory_space<hbm>>
    tpu.enqueue_indirect_dma source(%dma_start3A_71 : memref<1000000x64xf32, #tpu.memory_space<hbm>>) target(%arg15 : memref<128x64xf32, #tpu.memory_space<vmem>>) offsets(%dma_start3A_68 : memref<128xi32, #tpu.memory_space<vmem>>) semaphore(%arg25 : memref<!tpu.dma_semaphore, #tpu.memory_space<semaphore_mem>>)
    %scan3A = arith.constant 0 : i32
    %scan3A_72 = arith.constant 0 : i32
    %scan3A_73 = arith.constant 20 : i32
    %scan3A_74 = arith.addi %scan3A_72, %scan3A_73 : i32
    %scan3A_75 = arith.constant 1 : i32
    scf.for %scan3A_77 = %scan3A_72 to %scan3A_74 step %scan3A_75  : i32 {
      %mul3A_78 = arith.constant 10 : i32
      %mul3A_79 = arith.muli %scan3A_77, %mul3A_78 : i32
      %add3A_80 = arith.constant 0 : i32
      %add3A_81 = arith.addi %mul3A_79, %add3A_80 : i32
      %dma_wait3A = arith.constant 0 : i32
      %dma_wait3A_82 = tpu.memref_slice %arg5[%add3A_81, %dma_wait3A] : memref<200x128xi32, #tpu.memory_space<vmem>> -> memref<1x128xi32, #tpu.memory_space<vmem>>
      %dma_wait3A_83 = tpu.memref_squeeze %dma_wait3A_82 : memref<1x128xi32, #tpu.memory_space<vmem>> -> memref<128xi32, #tpu.memory_space<vmem>>
      %dma_wait3A_84 = arith.constant 0 : i32
      %dma_wait3A_85 = arith.constant 0 : i32
      %dma_wait3A_86 = tpu.memref_slice %arg2[%dma_wait3A_84, %dma_wait3A_85] : memref<1000000x64xf32, #tpu.memory_space<hbm>> -> memref<1000000x64xf32, #tpu.memory_space<hbm>>
      tpu.wait_indirect_dma semaphore(%arg16 : memref<!tpu.dma_semaphore, #tpu.memory_space<semaphore_mem>>) src(%dma_wait3A_86 : memref<1000000x64xf32, #tpu.memory_space<hbm>>) dst(%arg6 : memref<128x64xf32, #tpu.memory_space<vmem>>)
      %add3A_87 = arith.constant 0 : i32
      %add3A_88 = arith.addi %mul3A_79, %add3A_87 : i32
      %mul3A_89 = arith.constant 128 : i32
      %mul3A_90 = arith.muli %add3A_88, %mul3A_89 : i32
      %add3A_91 = arith.addi %mul3A_2, %mul3A_90 : i32
      %dma_start3A_92 = arith.constant 0 : i32
      %dma_start3A_93 = tpu.memref_slice %arg4[%add3A_91, %dma_start3A_92] : memref<819200x64xf32, #tpu.memory_space<hbm>> -> memref<128x64xf32, #tpu.memory_space<hbm>>
      %dma_start3A_94 = arith.constant 0 : i32
      %dma_start3A_95 = tpu.memref_slice %arg4[%add3A_91, %dma_start3A_94] : memref<819200x64xf32, #tpu.memory_space<hbm>> -> memref<128x64xf32, #tpu.memory_space<hbm>>
      tpu.enqueue_dma source(%arg6 : memref<128x64xf32, #tpu.memory_space<vmem>>) target(%dma_start3A_95 : memref<128x64xf32, #tpu.memory_space<hbm>>) target_semaphore(%arg26 : memref<!tpu.dma_semaphore, #tpu.memory_space<semaphore_mem>>)
      %add3A_96 = arith.constant 1 : i32
      %add3A_97 = arith.addi %mul3A_79, %add3A_96 : i32
      %dma_wait3A_98 = arith.constant 0 : i32
      %dma_wait3A_99 = tpu.memref_slice %arg5[%add3A_97, %dma_wait3A_98] : memref<200x128xi32, #tpu.memory_space<vmem>> -> memref<1x128xi32, #tpu.memory_space<vmem>>
      %dma_wait3A_100 = tpu.memref_squeeze %dma_wait3A_99 : memref<1x128xi32, #tpu.memory_space<vmem>> -> memref<128xi32, #tpu.memory_space<vmem>>
      %dma_wait3A_101 = arith.constant 0 : i32
      %dma_wait3A_102 = arith.constant 0 : i32
      %dma_wait3A_103 = tpu.memref_slice %arg2[%dma_wait3A_101, %dma_wait3A_102] : memref<1000000x64xf32, #tpu.memory_space<hbm>> -> memref<1000000x64xf32, #tpu.memory_space<hbm>>
      tpu.wait_indirect_dma semaphore(%arg17 : memref<!tpu.dma_semaphore, #tpu.memory_space<semaphore_mem>>) src(%dma_wait3A_103 : memref<1000000x64xf32, #tpu.memory_space<hbm>>) dst(%arg7 : memref<128x64xf32, #tpu.memory_space<vmem>>)
      %add3A_104 = arith.constant 1 : i32
      %add3A_105 = arith.addi %mul3A_79, %add3A_104 : i32
      %mul3A_106 = arith.constant 128 : i32
      %mul3A_107 = arith.muli %add3A_105, %mul3A_106 : i32
      %add3A_108 = arith.addi %mul3A_2, %mul3A_107 : i32
      %dma_start3A_109 = arith.constant 0 : i32
      %dma_start3A_110 = tpu.memref_slice %arg4[%add3A_108, %dma_start3A_109] : memref<819200x64xf32, #tpu.memory_space<hbm>> -> memref<128x64xf32, #tpu.memory_space<hbm>>
      %dma_start3A_111 = arith.constant 0 : i32
      %dma_start3A_112 = tpu.memref_slice %arg4[%add3A_108, %dma_start3A_111] : memref<819200x64xf32, #tpu.memory_space<hbm>> -> memref<128x64xf32, #tpu.memory_space<hbm>>
      tpu.enqueue_dma source(%arg7 : memref<128x64xf32, #tpu.memory_space<vmem>>) target(%dma_start3A_112 : memref<128x64xf32, #tpu.memory_space<hbm>>) target_semaphore(%arg27 : memref<!tpu.dma_semaphore, #tpu.memory_space<semaphore_mem>>)
      %add3A_113 = arith.constant 2 : i32
      %add3A_114 = arith.addi %mul3A_79, %add3A_113 : i32
      %dma_wait3A_115 = arith.constant 0 : i32
      %dma_wait3A_116 = tpu.memref_slice %arg5[%add3A_114, %dma_wait3A_115] : memref<200x128xi32, #tpu.memory_space<vmem>> -> memref<1x128xi32, #tpu.memory_space<vmem>>
      %dma_wait3A_117 = tpu.memref_squeeze %dma_wait3A_116 : memref<1x128xi32, #tpu.memory_space<vmem>> -> memref<128xi32, #tpu.memory_space<vmem>>
      %dma_wait3A_118 = arith.constant 0 : i32
      %dma_wait3A_119 = arith.constant 0 : i32
      %dma_wait3A_120 = tpu.memref_slice %arg2[%dma_wait3A_118, %dma_wait3A_119] : memref<1000000x64xf32, #tpu.memory_space<hbm>> -> memref<1000000x64xf32, #tpu.memory_space<hbm>>
      tpu.wait_indirect_dma semaphore(%arg18 : memref<!tpu.dma_semaphore, #tpu.memory_space<semaphore_mem>>) src(%dma_wait3A_120 : memref<1000000x64xf32, #tpu.memory_space<hbm>>) dst(%arg8 : memref<128x64xf32, #tpu.memory_space<vmem>>)
      %add3A_121 = arith.constant 2 : i32
      %add3A_122 = arith.addi %mul3A_79, %add3A_121 : i32
      %mul3A_123 = arith.constant 128 : i32
      %mul3A_124 = arith.muli %add3A_122, %mul3A_123 : i32
      %add3A_125 = arith.addi %mul3A_2, %mul3A_124 : i32
      %dma_start3A_126 = arith.constant 0 : i32
      %dma_start3A_127 = tpu.memref_slice %arg4[%add3A_125, %dma_start3A_126] : memref<819200x64xf32, #tpu.memory_space<hbm>> -> memref<128x64xf32, #tpu.memory_space<hbm>>
      %dma_start3A_128 = arith.constant 0 : i32
      %dma_start3A_129 = tpu.memref_slice %arg4[%add3A_125, %dma_start3A_128] : memref<819200x64xf32, #tpu.memory_space<hbm>> -> memref<128x64xf32, #tpu.memory_space<hbm>>
      tpu.enqueue_dma source(%arg8 : memref<128x64xf32, #tpu.memory_space<vmem>>) target(%dma_start3A_129 : memref<128x64xf32, #tpu.memory_space<hbm>>) target_semaphore(%arg28 : memref<!tpu.dma_semaphore, #tpu.memory_space<semaphore_mem>>)
      %add3A_130 = arith.constant 3 : i32
      %add3A_131 = arith.addi %mul3A_79, %add3A_130 : i32
      %dma_wait3A_132 = arith.constant 0 : i32
      %dma_wait3A_133 = tpu.memref_slice %arg5[%add3A_131, %dma_wait3A_132] : memref<200x128xi32, #tpu.memory_space<vmem>> -> memref<1x128xi32, #tpu.memory_space<vmem>>
      %dma_wait3A_134 = tpu.memref_squeeze %dma_wait3A_133 : memref<1x128xi32, #tpu.memory_space<vmem>> -> memref<128xi32, #tpu.memory_space<vmem>>
      %dma_wait3A_135 = arith.constant 0 : i32
      %dma_wait3A_136 = arith.constant 0 : i32
      %dma_wait3A_137 = tpu.memref_slice %arg2[%dma_wait3A_135, %dma_wait3A_136] : memref<1000000x64xf32, #tpu.memory_space<hbm>> -> memref<1000000x64xf32, #tpu.memory_space<hbm>>
      tpu.wait_indirect_dma semaphore(%arg19 : memref<!tpu.dma_semaphore, #tpu.memory_space<semaphore_mem>>) src(%dma_wait3A_137 : memref<1000000x64xf32, #tpu.memory_space<hbm>>) dst(%arg9 : memref<128x64xf32, #tpu.memory_space<vmem>>)
      %add3A_138 = arith.constant 3 : i32
      %add3A_139 = arith.addi %mul3A_79, %add3A_138 : i32
      %mul3A_140 = arith.constant 128 : i32
      %mul3A_141 = arith.muli %add3A_139, %mul3A_140 : i32
      %add3A_142 = arith.addi %mul3A_2, %mul3A_141 : i32
      %dma_start3A_143 = arith.constant 0 : i32
      %dma_start3A_144 = tpu.memref_slice %arg4[%add3A_142, %dma_start3A_143] : memref<819200x64xf32, #tpu.memory_space<hbm>> -> memref<128x64xf32, #tpu.memory_space<hbm>>
      %dma_start3A_145 = arith.constant 0 : i32
      %dma_start3A_146 = tpu.memref_slice %arg4[%add3A_142, %dma_start3A_145] : memref<819200x64xf32, #tpu.memory_space<hbm>> -> memref<128x64xf32, #tpu.memory_space<hbm>>
      tpu.enqueue_dma source(%arg9 : memref<128x64xf32, #tpu.memory_space<vmem>>) target(%dma_start3A_146 : memref<128x64xf32, #tpu.memory_space<hbm>>) target_semaphore(%arg29 : memref<!tpu.dma_semaphore, #tpu.memory_space<semaphore_mem>>)
      %add3A_147 = arith.constant 4 : i32
      %add3A_148 = arith.addi %mul3A_79, %add3A_147 : i32
      %dma_wait3A_149 = arith.constant 0 : i32
      %dma_wait3A_150 = tpu.memref_slice %arg5[%add3A_148, %dma_wait3A_149] : memref<200x128xi32, #tpu.memory_space<vmem>> -> memref<1x128xi32, #tpu.memory_space<vmem>>
      %dma_wait3A_151 = tpu.memref_squeeze %dma_wait3A_150 : memref<1x128xi32, #tpu.memory_space<vmem>> -> memref<128xi32, #tpu.memory_space<vmem>>
      %dma_wait3A_152 = arith.constant 0 : i32
      %dma_wait3A_153 = arith.constant 0 : i32
      %dma_wait3A_154 = tpu.memref_slice %arg2[%dma_wait3A_152, %dma_wait3A_153] : memref<1000000x64xf32, #tpu.memory_space<hbm>> -> memref<1000000x64xf32, #tpu.memory_space<hbm>>
      tpu.wait_indirect_dma semaphore(%arg20 : memref<!tpu.dma_semaphore, #tpu.memory_space<semaphore_mem>>) src(%dma_wait3A_154 : memref<1000000x64xf32, #tpu.memory_space<hbm>>) dst(%arg10 : memref<128x64xf32, #tpu.memory_space<vmem>>)
      %add3A_155 = arith.constant 4 : i32
      %add3A_156 = arith.addi %mul3A_79, %add3A_155 : i32
      %mul3A_157 = arith.constant 128 : i32
      %mul3A_158 = arith.muli %add3A_156, %mul3A_157 : i32
      %add3A_159 = arith.addi %mul3A_2, %mul3A_158 : i32
      %dma_start3A_160 = arith.constant 0 : i32
      %dma_start3A_161 = tpu.memref_slice %arg4[%add3A_159, %dma_start3A_160] : memref<819200x64xf32, #tpu.memory_space<hbm>> -> memref<128x64xf32, #tpu.memory_space<hbm>>
      %dma_start3A_162 = arith.constant 0 : i32
      %dma_start3A_163 = tpu.memref_slice %arg4[%add3A_159, %dma_start3A_162] : memref<819200x64xf32, #tpu.memory_space<hbm>> -> memref<128x64xf32, #tpu.memory_space<hbm>>
      tpu.enqueue_dma source(%arg10 : memref<128x64xf32, #tpu.memory_space<vmem>>) target(%dma_start3A_163 : memref<128x64xf32, #tpu.memory_space<hbm>>) target_semaphore(%arg30 : memref<!tpu.dma_semaphore, #tpu.memory_space<semaphore_mem>>)
      %add3A_164 = arith.constant 5 : i32
      %add3A_165 = arith.addi %mul3A_79, %add3A_164 : i32
      %dma_wait3A_166 = arith.constant 0 : i32
      %dma_wait3A_167 = tpu.memref_slice %arg5[%add3A_165, %dma_wait3A_166] : memref<200x128xi32, #tpu.memory_space<vmem>> -> memref<1x128xi32, #tpu.memory_space<vmem>>
      %dma_wait3A_168 = tpu.memref_squeeze %dma_wait3A_167 : memref<1x128xi32, #tpu.memory_space<vmem>> -> memref<128xi32, #tpu.memory_space<vmem>>
      %dma_wait3A_169 = arith.constant 0 : i32
      %dma_wait3A_170 = arith.constant 0 : i32
      %dma_wait3A_171 = tpu.memref_slice %arg2[%dma_wait3A_169, %dma_wait3A_170] : memref<1000000x64xf32, #tpu.memory_space<hbm>> -> memref<1000000x64xf32, #tpu.memory_space<hbm>>
      tpu.wait_indirect_dma semaphore(%arg21 : memref<!tpu.dma_semaphore, #tpu.memory_space<semaphore_mem>>) src(%dma_wait3A_171 : memref<1000000x64xf32, #tpu.memory_space<hbm>>) dst(%arg11 : memref<128x64xf32, #tpu.memory_space<vmem>>)
      %add3A_172 = arith.constant 5 : i32
      %add3A_173 = arith.addi %mul3A_79, %add3A_172 : i32
      %mul3A_174 = arith.constant 128 : i32
      %mul3A_175 = arith.muli %add3A_173, %mul3A_174 : i32
      %add3A_176 = arith.addi %mul3A_2, %mul3A_175 : i32
      %dma_start3A_177 = arith.constant 0 : i32
      %dma_start3A_178 = tpu.memref_slice %arg4[%add3A_176, %dma_start3A_177] : memref<819200x64xf32, #tpu.memory_space<hbm>> -> memref<128x64xf32, #tpu.memory_space<hbm>>
      %dma_start3A_179 = arith.constant 0 : i32
      %dma_start3A_180 = tpu.memref_slice %arg4[%add3A_176, %dma_start3A_179] : memref<819200x64xf32, #tpu.memory_space<hbm>> -> memref<128x64xf32, #tpu.memory_space<hbm>>
      tpu.enqueue_dma source(%arg11 : memref<128x64xf32, #tpu.memory_space<vmem>>) target(%dma_start3A_180 : memref<128x64xf32, #tpu.memory_space<hbm>>) target_semaphore(%arg31 : memref<!tpu.dma_semaphore, #tpu.memory_space<semaphore_mem>>)
      %add3A_181 = arith.constant 6 : i32
      %add3A_182 = arith.addi %mul3A_79, %add3A_181 : i32
      %dma_wait3A_183 = arith.constant 0 : i32
      %dma_wait3A_184 = tpu.memref_slice %arg5[%add3A_182, %dma_wait3A_183] : memref<200x128xi32, #tpu.memory_space<vmem>> -> memref<1x128xi32, #tpu.memory_space<vmem>>
      %dma_wait3A_185 = tpu.memref_squeeze %dma_wait3A_184 : memref<1x128xi32, #tpu.memory_space<vmem>> -> memref<128xi32, #tpu.memory_space<vmem>>
      %dma_wait3A_186 = arith.constant 0 : i32
      %dma_wait3A_187 = arith.constant 0 : i32
      %dma_wait3A_188 = tpu.memref_slice %arg2[%dma_wait3A_186, %dma_wait3A_187] : memref<1000000x64xf32, #tpu.memory_space<hbm>> -> memref<1000000x64xf32, #tpu.memory_space<hbm>>
      tpu.wait_indirect_dma semaphore(%arg22 : memref<!tpu.dma_semaphore, #tpu.memory_space<semaphore_mem>>) src(%dma_wait3A_188 : memref<1000000x64xf32, #tpu.memory_space<hbm>>) dst(%arg12 : memref<128x64xf32, #tpu.memory_space<vmem>>)
      %add3A_189 = arith.constant 6 : i32
      %add3A_190 = arith.addi %mul3A_79, %add3A_189 : i32
      %mul3A_191 = arith.constant 128 : i32
      %mul3A_192 = arith.muli %add3A_190, %mul3A_191 : i32
      %add3A_193 = arith.addi %mul3A_2, %mul3A_192 : i32
      %dma_start3A_194 = arith.constant 0 : i32
      %dma_start3A_195 = tpu.memref_slice %arg4[%add3A_193, %dma_start3A_194] : memref<819200x64xf32, #tpu.memory_space<hbm>> -> memref<128x64xf32, #tpu.memory_space<hbm>>
      %dma_start3A_196 = arith.constant 0 : i32
      %dma_start3A_197 = tpu.memref_slice %arg4[%add3A_193, %dma_start3A_196] : memref<819200x64xf32, #tpu.memory_space<hbm>> -> memref<128x64xf32, #tpu.memory_space<hbm>>
      tpu.enqueue_dma source(%arg12 : memref<128x64xf32, #tpu.memory_space<vmem>>) target(%dma_start3A_197 : memref<128x64xf32, #tpu.memory_space<hbm>>) target_semaphore(%arg32 : memref<!tpu.dma_semaphore, #tpu.memory_space<semaphore_mem>>)
      %add3A_198 = arith.constant 7 : i32
      %add3A_199 = arith.addi %mul3A_79, %add3A_198 : i32
      %dma_wait3A_200 = arith.constant 0 : i32
      %dma_wait3A_201 = tpu.memref_slice %arg5[%add3A_199, %dma_wait3A_200] : memref<200x128xi32, #tpu.memory_space<vmem>> -> memref<1x128xi32, #tpu.memory_space<vmem>>
      %dma_wait3A_202 = tpu.memref_squeeze %dma_wait3A_201 : memref<1x128xi32, #tpu.memory_space<vmem>> -> memref<128xi32, #tpu.memory_space<vmem>>
      %dma_wait3A_203 = arith.constant 0 : i32
      %dma_wait3A_204 = arith.constant 0 : i32
      %dma_wait3A_205 = tpu.memref_slice %arg2[%dma_wait3A_203, %dma_wait3A_204] : memref<1000000x64xf32, #tpu.memory_space<hbm>> -> memref<1000000x64xf32, #tpu.memory_space<hbm>>
      tpu.wait_indirect_dma semaphore(%arg23 : memref<!tpu.dma_semaphore, #tpu.memory_space<semaphore_mem>>) src(%dma_wait3A_205 : memref<1000000x64xf32, #tpu.memory_space<hbm>>) dst(%arg13 : memref<128x64xf32, #tpu.memory_space<vmem>>)
      %add3A_206 = arith.constant 7 : i32
      %add3A_207 = arith.addi %mul3A_79, %add3A_206 : i32
      %mul3A_208 = arith.constant 128 : i32
      %mul3A_209 = arith.muli %add3A_207, %mul3A_208 : i32
      %add3A_210 = arith.addi %mul3A_2, %mul3A_209 : i32
      %dma_start3A_211 = arith.constant 0 : i32
      %dma_start3A_212 = tpu.memref_slice %arg4[%add3A_210, %dma_start3A_211] : memref<819200x64xf32, #tpu.memory_space<hbm>> -> memref<128x64xf32, #tpu.memory_space<hbm>>
      %dma_start3A_213 = arith.constant 0 : i32
      %dma_start3A_214 = tpu.memref_slice %arg4[%add3A_210, %dma_start3A_213] : memref<819200x64xf32, #tpu.memory_space<hbm>> -> memref<128x64xf32, #tpu.memory_space<hbm>>
      tpu.enqueue_dma source(%arg13 : memref<128x64xf32, #tpu.memory_space<vmem>>) target(%dma_start3A_214 : memref<128x64xf32, #tpu.memory_space<hbm>>) target_semaphore(%arg33 : memref<!tpu.dma_semaphore, #tpu.memory_space<semaphore_mem>>)
      %add3A_215 = arith.constant 8 : i32
      %add3A_216 = arith.addi %mul3A_79, %add3A_215 : i32
      %dma_wait3A_217 = arith.constant 0 : i32
      %dma_wait3A_218 = tpu.memref_slice %arg5[%add3A_216, %dma_wait3A_217] : memref<200x128xi32, #tpu.memory_space<vmem>> -> memref<1x128xi32, #tpu.memory_space<vmem>>
      %dma_wait3A_219 = tpu.memref_squeeze %dma_wait3A_218 : memref<1x128xi32, #tpu.memory_space<vmem>> -> memref<128xi32, #tpu.memory_space<vmem>>
      %dma_wait3A_220 = arith.constant 0 : i32
      %dma_wait3A_221 = arith.constant 0 : i32
      %dma_wait3A_222 = tpu.memref_slice %arg2[%dma_wait3A_220, %dma_wait3A_221] : memref<1000000x64xf32, #tpu.memory_space<hbm>> -> memref<1000000x64xf32, #tpu.memory_space<hbm>>
      tpu.wait_indirect_dma semaphore(%arg24 : memref<!tpu.dma_semaphore, #tpu.memory_space<semaphore_mem>>) src(%dma_wait3A_222 : memref<1000000x64xf32, #tpu.memory_space<hbm>>) dst(%arg14 : memref<128x64xf32, #tpu.memory_space<vmem>>)
      %add3A_223 = arith.constant 8 : i32
      %add3A_224 = arith.addi %mul3A_79, %add3A_223 : i32
      %mul3A_225 = arith.constant 128 : i32
      %mul3A_226 = arith.muli %add3A_224, %mul3A_225 : i32
      %add3A_227 = arith.addi %mul3A_2, %mul3A_226 : i32
      %dma_start3A_228 = arith.constant 0 : i32
      %dma_start3A_229 = tpu.memref_slice %arg4[%add3A_227, %dma_start3A_228] : memref<819200x64xf32, #tpu.memory_space<hbm>> -> memref<128x64xf32, #tpu.memory_space<hbm>>
      %dma_start3A_230 = arith.constant 0 : i32
      %dma_start3A_231 = tpu.memref_slice %arg4[%add3A_227, %dma_start3A_230] : memref<819200x64xf32, #tpu.memory_space<hbm>> -> memref<128x64xf32, #tpu.memory_space<hbm>>
      tpu.enqueue_dma source(%arg14 : memref<128x64xf32, #tpu.memory_space<vmem>>) target(%dma_start3A_231 : memref<128x64xf32, #tpu.memory_space<hbm>>) target_semaphore(%arg34 : memref<!tpu.dma_semaphore, #tpu.memory_space<semaphore_mem>>)
      %add3A_232 = arith.constant 9 : i32
      %add3A_233 = arith.addi %mul3A_79, %add3A_232 : i32
      %dma_wait3A_234 = arith.constant 0 : i32
      %dma_wait3A_235 = tpu.memref_slice %arg5[%add3A_233, %dma_wait3A_234] : memref<200x128xi32, #tpu.memory_space<vmem>> -> memref<1x128xi32, #tpu.memory_space<vmem>>
      %dma_wait3A_236 = tpu.memref_squeeze %dma_wait3A_235 : memref<1x128xi32, #tpu.memory_space<vmem>> -> memref<128xi32, #tpu.memory_space<vmem>>
      %dma_wait3A_237 = arith.constant 0 : i32
      %dma_wait3A_238 = arith.constant 0 : i32
      %dma_wait3A_239 = tpu.memref_slice %arg2[%dma_wait3A_237, %dma_wait3A_238] : memref<1000000x64xf32, #tpu.memory_space<hbm>> -> memref<1000000x64xf32, #tpu.memory_space<hbm>>
      tpu.wait_indirect_dma semaphore(%arg25 : memref<!tpu.dma_semaphore, #tpu.memory_space<semaphore_mem>>) src(%dma_wait3A_239 : memref<1000000x64xf32, #tpu.memory_space<hbm>>) dst(%arg15 : memref<128x64xf32, #tpu.memory_space<vmem>>)
      %add3A_240 = arith.constant 9 : i32
      %add3A_241 = arith.addi %mul3A_79, %add3A_240 : i32
      %mul3A_242 = arith.constant 128 : i32
      %mul3A_243 = arith.muli %add3A_241, %mul3A_242 : i32
      %add3A_244 = arith.addi %mul3A_2, %mul3A_243 : i32
      %dma_start3A_245 = arith.constant 0 : i32
      %dma_start3A_246 = tpu.memref_slice %arg4[%add3A_244, %dma_start3A_245] : memref<819200x64xf32, #tpu.memory_space<hbm>> -> memref<128x64xf32, #tpu.memory_space<hbm>>
      %dma_start3A_247 = arith.constant 0 : i32
      %dma_start3A_248 = tpu.memref_slice %arg4[%add3A_244, %dma_start3A_247] : memref<819200x64xf32, #tpu.memory_space<hbm>> -> memref<128x64xf32, #tpu.memory_space<hbm>>
      tpu.enqueue_dma source(%arg15 : memref<128x64xf32, #tpu.memory_space<vmem>>) target(%dma_start3A_248 : memref<128x64xf32, #tpu.memory_space<hbm>>) target_semaphore(%arg35 : memref<!tpu.dma_semaphore, #tpu.memory_space<semaphore_mem>>)
      %add3A_249 = arith.constant 0 : i32
      %add3A_250 = arith.addi %mul3A_79, %add3A_249 : i32
      %mul3A_251 = arith.constant 128 : i32
      %mul3A_252 = arith.muli %add3A_250, %mul3A_251 : i32
      %add3A_253 = arith.addi %mul3A_2, %mul3A_252 : i32
      %dma_wait3A_254 = arith.constant 0 : i32
      %dma_wait3A_255 = tpu.memref_slice %arg4[%add3A_253, %dma_wait3A_254] : memref<819200x64xf32, #tpu.memory_space<hbm>> -> memref<128x64xf32, #tpu.memory_space<hbm>>
      %dma_wait3A_256 = arith.constant 0 : i32
      %dma_wait3A_257 = tpu.memref_slice %arg4[%add3A_253, %dma_wait3A_256] : memref<819200x64xf32, #tpu.memory_space<hbm>> -> memref<128x64xf32, #tpu.memory_space<hbm>>
      tpu.wait_dma2 semaphore(%arg26 : memref<!tpu.dma_semaphore, #tpu.memory_space<semaphore_mem>>) src(%arg6 : memref<128x64xf32, #tpu.memory_space<vmem>>) dst(%dma_wait3A_257 : memref<128x64xf32, #tpu.memory_space<hbm>>)
      %lt3A = arith.constant 19 : i32
      %lt3A_258 = arith.cmpi slt, %scan3A_77, %lt3A : i32
      %convert_element_type3A = arith.extui %lt3A_258 : i1 to i32
      %cond3A = arith.constant 0 : i32
      %cond3A_259 = arith.cmpi ne, %convert_element_type3A, %cond3A : i32
      scf.if %cond3A_259 {
        %add3A_386 = arith.constant 10 : i32
        %add3A_387 = arith.addi %mul3A_79, %add3A_386 : i32
        %add3A_388 = arith.constant 0 : i32
        %add3A_389 = arith.addi %add3A_387, %add3A_388 : i32
        %dma_start3A_390 = arith.constant 0 : i32
        %dma_start3A_391 = tpu.memref_slice %arg5[%add3A_389, %dma_start3A_390] : memref<200x128xi32, #tpu.memory_space<vmem>> -> memref<1x128xi32, #tpu.memory_space<vmem>>
        %dma_start3A_392 = tpu.memref_squeeze %dma_start3A_391 : memref<1x128xi32, #tpu.memory_space<vmem>> -> memref<128xi32, #tpu.memory_space<vmem>>
        %dma_start3A_393 = arith.constant 0 : i32
        %dma_start3A_394 = arith.constant 0 : i32
        %dma_start3A_395 = tpu.memref_slice %arg2[%dma_start3A_393, %dma_start3A_394] : memref<1000000x64xf32, #tpu.memory_space<hbm>> -> memref<1000000x64xf32, #tpu.memory_space<hbm>>
        tpu.enqueue_indirect_dma source(%dma_start3A_395 : memref<1000000x64xf32, #tpu.memory_space<hbm>>) target(%arg6 : memref<128x64xf32, #tpu.memory_space<vmem>>) offsets(%dma_start3A_392 : memref<128xi32, #tpu.memory_space<vmem>>) semaphore(%arg16 : memref<!tpu.dma_semaphore, #tpu.memory_space<semaphore_mem>>)
      } else {
      }
      %add3A_260 = arith.constant 1 : i32
      %add3A_261 = arith.addi %mul3A_79, %add3A_260 : i32
      %mul3A_262 = arith.constant 128 : i32
      %mul3A_263 = arith.muli %add3A_261, %mul3A_262 : i32
      %add3A_264 = arith.addi %mul3A_2, %mul3A_263 : i32
      %dma_wait3A_265 = arith.constant 0 : i32
      %dma_wait3A_266 = tpu.memref_slice %arg4[%add3A_264, %dma_wait3A_265] : memref<819200x64xf32, #tpu.memory_space<hbm>> -> memref<128x64xf32, #tpu.memory_space<hbm>>
      %dma_wait3A_267 = arith.constant 0 : i32
      %dma_wait3A_268 = tpu.memref_slice %arg4[%add3A_264, %dma_wait3A_267] : memref<819200x64xf32, #tpu.memory_space<hbm>> -> memref<128x64xf32, #tpu.memory_space<hbm>>
      tpu.wait_dma2 semaphore(%arg27 : memref<!tpu.dma_semaphore, #tpu.memory_space<semaphore_mem>>) src(%arg7 : memref<128x64xf32, #tpu.memory_space<vmem>>) dst(%dma_wait3A_268 : memref<128x64xf32, #tpu.memory_space<hbm>>)
      %lt3A_269 = arith.constant 19 : i32
      %lt3A_270 = arith.cmpi slt, %scan3A_77, %lt3A_269 : i32
      %convert_element_type3A_271 = arith.extui %lt3A_270 : i1 to i32
      %cond3A_272 = arith.constant 0 : i32
      %cond3A_273 = arith.cmpi ne, %convert_element_type3A_271, %cond3A_272 : i32
      scf.if %cond3A_273 {
        %add3A_386 = arith.constant 10 : i32
        %add3A_387 = arith.addi %mul3A_79, %add3A_386 : i32
        %add3A_388 = arith.constant 1 : i32
        %add3A_389 = arith.addi %add3A_387, %add3A_388 : i32
        %dma_start3A_390 = arith.constant 0 : i32
        %dma_start3A_391 = tpu.memref_slice %arg5[%add3A_389, %dma_start3A_390] : memref<200x128xi32, #tpu.memory_space<vmem>> -> memref<1x128xi32, #tpu.memory_space<vmem>>
        %dma_start3A_392 = tpu.memref_squeeze %dma_start3A_391 : memref<1x128xi32, #tpu.memory_space<vmem>> -> memref<128xi32, #tpu.memory_space<vmem>>
        %dma_start3A_393 = arith.constant 0 : i32
        %dma_start3A_394 = arith.constant 0 : i32
        %dma_start3A_395 = tpu.memref_slice %arg2[%dma_start3A_393, %dma_start3A_394] : memref<1000000x64xf32, #tpu.memory_space<hbm>> -> memref<1000000x64xf32, #tpu.memory_space<hbm>>
        tpu.enqueue_indirect_dma source(%dma_start3A_395 : memref<1000000x64xf32, #tpu.memory_space<hbm>>) target(%arg7 : memref<128x64xf32, #tpu.memory_space<vmem>>) offsets(%dma_start3A_392 : memref<128xi32, #tpu.memory_space<vmem>>) semaphore(%arg17 : memref<!tpu.dma_semaphore, #tpu.memory_space<semaphore_mem>>)
      } else {
      }
      %add3A_274 = arith.constant 2 : i32
      %add3A_275 = arith.addi %mul3A_79, %add3A_274 : i32
      %mul3A_276 = arith.constant 128 : i32
      %mul3A_277 = arith.muli %add3A_275, %mul3A_276 : i32
      %add3A_278 = arith.addi %mul3A_2, %mul3A_277 : i32
      %dma_wait3A_279 = arith.constant 0 : i32
      %dma_wait3A_280 = tpu.memref_slice %arg4[%add3A_278, %dma_wait3A_279] : memref<819200x64xf32, #tpu.memory_space<hbm>> -> memref<128x64xf32, #tpu.memory_space<hbm>>
      %dma_wait3A_281 = arith.constant 0 : i32
      %dma_wait3A_282 = tpu.memref_slice %arg4[%add3A_278, %dma_wait3A_281] : memref<819200x64xf32, #tpu.memory_space<hbm>> -> memref<128x64xf32, #tpu.memory_space<hbm>>
      tpu.wait_dma2 semaphore(%arg28 : memref<!tpu.dma_semaphore, #tpu.memory_space<semaphore_mem>>) src(%arg8 : memref<128x64xf32, #tpu.memory_space<vmem>>) dst(%dma_wait3A_282 : memref<128x64xf32, #tpu.memory_space<hbm>>)
      %lt3A_283 = arith.constant 19 : i32
      %lt3A_284 = arith.cmpi slt, %scan3A_77, %lt3A_283 : i32
      %convert_element_type3A_285 = arith.extui %lt3A_284 : i1 to i32
      %cond3A_286 = arith.constant 0 : i32
      %cond3A_287 = arith.cmpi ne, %convert_element_type3A_285, %cond3A_286 : i32
      scf.if %cond3A_287 {
        %add3A_386 = arith.constant 10 : i32
        %add3A_387 = arith.addi %mul3A_79, %add3A_386 : i32
        %add3A_388 = arith.constant 2 : i32
        %add3A_389 = arith.addi %add3A_387, %add3A_388 : i32
        %dma_start3A_390 = arith.constant 0 : i32
        %dma_start3A_391 = tpu.memref_slice %arg5[%add3A_389, %dma_start3A_390] : memref<200x128xi32, #tpu.memory_space<vmem>> -> memref<1x128xi32, #tpu.memory_space<vmem>>
        %dma_start3A_392 = tpu.memref_squeeze %dma_start3A_391 : memref<1x128xi32, #tpu.memory_space<vmem>> -> memref<128xi32, #tpu.memory_space<vmem>>
        %dma_start3A_393 = arith.constant 0 : i32
        %dma_start3A_394 = arith.constant 0 : i32
        %dma_start3A_395 = tpu.memref_slice %arg2[%dma_start3A_393, %dma_start3A_394] : memref<1000000x64xf32, #tpu.memory_space<hbm>> -> memref<1000000x64xf32, #tpu.memory_space<hbm>>
        tpu.enqueue_indirect_dma source(%dma_start3A_395 : memref<1000000x64xf32, #tpu.memory_space<hbm>>) target(%arg8 : memref<128x64xf32, #tpu.memory_space<vmem>>) offsets(%dma_start3A_392 : memref<128xi32, #tpu.memory_space<vmem>>) semaphore(%arg18 : memref<!tpu.dma_semaphore, #tpu.memory_space<semaphore_mem>>)
      } else {
      }
      %add3A_288 = arith.constant 3 : i32
      %add3A_289 = arith.addi %mul3A_79, %add3A_288 : i32
      %mul3A_290 = arith.constant 128 : i32
      %mul3A_291 = arith.muli %add3A_289, %mul3A_290 : i32
      %add3A_292 = arith.addi %mul3A_2, %mul3A_291 : i32
      %dma_wait3A_293 = arith.constant 0 : i32
      %dma_wait3A_294 = tpu.memref_slice %arg4[%add3A_292, %dma_wait3A_293] : memref<819200x64xf32, #tpu.memory_space<hbm>> -> memref<128x64xf32, #tpu.memory_space<hbm>>
      %dma_wait3A_295 = arith.constant 0 : i32
      %dma_wait3A_296 = tpu.memref_slice %arg4[%add3A_292, %dma_wait3A_295] : memref<819200x64xf32, #tpu.memory_space<hbm>> -> memref<128x64xf32, #tpu.memory_space<hbm>>
      tpu.wait_dma2 semaphore(%arg29 : memref<!tpu.dma_semaphore, #tpu.memory_space<semaphore_mem>>) src(%arg9 : memref<128x64xf32, #tpu.memory_space<vmem>>) dst(%dma_wait3A_296 : memref<128x64xf32, #tpu.memory_space<hbm>>)
      %lt3A_297 = arith.constant 19 : i32
      %lt3A_298 = arith.cmpi slt, %scan3A_77, %lt3A_297 : i32
      %convert_element_type3A_299 = arith.extui %lt3A_298 : i1 to i32
      %cond3A_300 = arith.constant 0 : i32
      %cond3A_301 = arith.cmpi ne, %convert_element_type3A_299, %cond3A_300 : i32
      scf.if %cond3A_301 {
        %add3A_386 = arith.constant 10 : i32
        %add3A_387 = arith.addi %mul3A_79, %add3A_386 : i32
        %add3A_388 = arith.constant 3 : i32
        %add3A_389 = arith.addi %add3A_387, %add3A_388 : i32
        %dma_start3A_390 = arith.constant 0 : i32
        %dma_start3A_391 = tpu.memref_slice %arg5[%add3A_389, %dma_start3A_390] : memref<200x128xi32, #tpu.memory_space<vmem>> -> memref<1x128xi32, #tpu.memory_space<vmem>>
        %dma_start3A_392 = tpu.memref_squeeze %dma_start3A_391 : memref<1x128xi32, #tpu.memory_space<vmem>> -> memref<128xi32, #tpu.memory_space<vmem>>
        %dma_start3A_393 = arith.constant 0 : i32
        %dma_start3A_394 = arith.constant 0 : i32
        %dma_start3A_395 = tpu.memref_slice %arg2[%dma_start3A_393, %dma_start3A_394] : memref<1000000x64xf32, #tpu.memory_space<hbm>> -> memref<1000000x64xf32, #tpu.memory_space<hbm>>
        tpu.enqueue_indirect_dma source(%dma_start3A_395 : memref<1000000x64xf32, #tpu.memory_space<hbm>>) target(%arg9 : memref<128x64xf32, #tpu.memory_space<vmem>>) offsets(%dma_start3A_392 : memref<128xi32, #tpu.memory_space<vmem>>) semaphore(%arg19 : memref<!tpu.dma_semaphore, #tpu.memory_space<semaphore_mem>>)
      } else {
      }
      %add3A_302 = arith.constant 4 : i32
      %add3A_303 = arith.addi %mul3A_79, %add3A_302 : i32
      %mul3A_304 = arith.constant 128 : i32
      %mul3A_305 = arith.muli %add3A_303, %mul3A_304 : i32
      %add3A_306 = arith.addi %mul3A_2, %mul3A_305 : i32
      %dma_wait3A_307 = arith.constant 0 : i32
      %dma_wait3A_308 = tpu.memref_slice %arg4[%add3A_306, %dma_wait3A_307] : memref<819200x64xf32, #tpu.memory_space<hbm>> -> memref<128x64xf32, #tpu.memory_space<hbm>>
      %dma_wait3A_309 = arith.constant 0 : i32
      %dma_wait3A_310 = tpu.memref_slice %arg4[%add3A_306, %dma_wait3A_309] : memref<819200x64xf32, #tpu.memory_space<hbm>> -> memref<128x64xf32, #tpu.memory_space<hbm>>
      tpu.wait_dma2 semaphore(%arg30 : memref<!tpu.dma_semaphore, #tpu.memory_space<semaphore_mem>>) src(%arg10 : memref<128x64xf32, #tpu.memory_space<vmem>>) dst(%dma_wait3A_310 : memref<128x64xf32, #tpu.memory_space<hbm>>)
      %lt3A_311 = arith.constant 19 : i32
      %lt3A_312 = arith.cmpi slt, %scan3A_77, %lt3A_311 : i32
      %convert_element_type3A_313 = arith.extui %lt3A_312 : i1 to i32
      %cond3A_314 = arith.constant 0 : i32
      %cond3A_315 = arith.cmpi ne, %convert_element_type3A_313, %cond3A_314 : i32
      scf.if %cond3A_315 {
        %add3A_386 = arith.constant 10 : i32
        %add3A_387 = arith.addi %mul3A_79, %add3A_386 : i32
        %add3A_388 = arith.constant 4 : i32
        %add3A_389 = arith.addi %add3A_387, %add3A_388 : i32
        %dma_start3A_390 = arith.constant 0 : i32
        %dma_start3A_391 = tpu.memref_slice %arg5[%add3A_389, %dma_start3A_390] : memref<200x128xi32, #tpu.memory_space<vmem>> -> memref<1x128xi32, #tpu.memory_space<vmem>>
        %dma_start3A_392 = tpu.memref_squeeze %dma_start3A_391 : memref<1x128xi32, #tpu.memory_space<vmem>> -> memref<128xi32, #tpu.memory_space<vmem>>
        %dma_start3A_393 = arith.constant 0 : i32
        %dma_start3A_394 = arith.constant 0 : i32
        %dma_start3A_395 = tpu.memref_slice %arg2[%dma_start3A_393, %dma_start3A_394] : memref<1000000x64xf32, #tpu.memory_space<hbm>> -> memref<1000000x64xf32, #tpu.memory_space<hbm>>
        tpu.enqueue_indirect_dma source(%dma_start3A_395 : memref<1000000x64xf32, #tpu.memory_space<hbm>>) target(%arg10 : memref<128x64xf32, #tpu.memory_space<vmem>>) offsets(%dma_start3A_392 : memref<128xi32, #tpu.memory_space<vmem>>) semaphore(%arg20 : memref<!tpu.dma_semaphore, #tpu.memory_space<semaphore_mem>>)
      } else {
      }
      %add3A_316 = arith.constant 5 : i32
      %add3A_317 = arith.addi %mul3A_79, %add3A_316 : i32
      %mul3A_318 = arith.constant 128 : i32
      %mul3A_319 = arith.muli %add3A_317, %mul3A_318 : i32
      %add3A_320 = arith.addi %mul3A_2, %mul3A_319 : i32
      %dma_wait3A_321 = arith.constant 0 : i32
      %dma_wait3A_322 = tpu.memref_slice %arg4[%add3A_320, %dma_wait3A_321] : memref<819200x64xf32, #tpu.memory_space<hbm>> -> memref<128x64xf32, #tpu.memory_space<hbm>>
      %dma_wait3A_323 = arith.constant 0 : i32
      %dma_wait3A_324 = tpu.memref_slice %arg4[%add3A_320, %dma_wait3A_323] : memref<819200x64xf32, #tpu.memory_space<hbm>> -> memref<128x64xf32, #tpu.memory_space<hbm>>
      tpu.wait_dma2 semaphore(%arg31 : memref<!tpu.dma_semaphore, #tpu.memory_space<semaphore_mem>>) src(%arg11 : memref<128x64xf32, #tpu.memory_space<vmem>>) dst(%dma_wait3A_324 : memref<128x64xf32, #tpu.memory_space<hbm>>)
      %lt3A_325 = arith.constant 19 : i32
      %lt3A_326 = arith.cmpi slt, %scan3A_77, %lt3A_325 : i32
      %convert_element_type3A_327 = arith.extui %lt3A_326 : i1 to i32
      %cond3A_328 = arith.constant 0 : i32
      %cond3A_329 = arith.cmpi ne, %convert_element_type3A_327, %cond3A_328 : i32
      scf.if %cond3A_329 {
        %add3A_386 = arith.constant 10 : i32
        %add3A_387 = arith.addi %mul3A_79, %add3A_386 : i32
        %add3A_388 = arith.constant 5 : i32
        %add3A_389 = arith.addi %add3A_387, %add3A_388 : i32
        %dma_start3A_390 = arith.constant 0 : i32
        %dma_start3A_391 = tpu.memref_slice %arg5[%add3A_389, %dma_start3A_390] : memref<200x128xi32, #tpu.memory_space<vmem>> -> memref<1x128xi32, #tpu.memory_space<vmem>>
        %dma_start3A_392 = tpu.memref_squeeze %dma_start3A_391 : memref<1x128xi32, #tpu.memory_space<vmem>> -> memref<128xi32, #tpu.memory_space<vmem>>
        %dma_start3A_393 = arith.constant 0 : i32
        %dma_start3A_394 = arith.constant 0 : i32
        %dma_start3A_395 = tpu.memref_slice %arg2[%dma_start3A_393, %dma_start3A_394] : memref<1000000x64xf32, #tpu.memory_space<hbm>> -> memref<1000000x64xf32, #tpu.memory_space<hbm>>
        tpu.enqueue_indirect_dma source(%dma_start3A_395 : memref<1000000x64xf32, #tpu.memory_space<hbm>>) target(%arg11 : memref<128x64xf32, #tpu.memory_space<vmem>>) offsets(%dma_start3A_392 : memref<128xi32, #tpu.memory_space<vmem>>) semaphore(%arg21 : memref<!tpu.dma_semaphore, #tpu.memory_space<semaphore_mem>>)
      } else {
      }
      %add3A_330 = arith.constant 6 : i32
      %add3A_331 = arith.addi %mul3A_79, %add3A_330 : i32
      %mul3A_332 = arith.constant 128 : i32
      %mul3A_333 = arith.muli %add3A_331, %mul3A_332 : i32
      %add3A_334 = arith.addi %mul3A_2, %mul3A_333 : i32
      %dma_wait3A_335 = arith.constant 0 : i32
      %dma_wait3A_336 = tpu.memref_slice %arg4[%add3A_334, %dma_wait3A_335] : memref<819200x64xf32, #tpu.memory_space<hbm>> -> memref<128x64xf32, #tpu.memory_space<hbm>>
      %dma_wait3A_337 = arith.constant 0 : i32
      %dma_wait3A_338 = tpu.memref_slice %arg4[%add3A_334, %dma_wait3A_337] : memref<819200x64xf32, #tpu.memory_space<hbm>> -> memref<128x64xf32, #tpu.memory_space<hbm>>
      tpu.wait_dma2 semaphore(%arg32 : memref<!tpu.dma_semaphore, #tpu.memory_space<semaphore_mem>>) src(%arg12 : memref<128x64xf32, #tpu.memory_space<vmem>>) dst(%dma_wait3A_338 : memref<128x64xf32, #tpu.memory_space<hbm>>)
      %lt3A_339 = arith.constant 19 : i32
      %lt3A_340 = arith.cmpi slt, %scan3A_77, %lt3A_339 : i32
      %convert_element_type3A_341 = arith.extui %lt3A_340 : i1 to i32
      %cond3A_342 = arith.constant 0 : i32
      %cond3A_343 = arith.cmpi ne, %convert_element_type3A_341, %cond3A_342 : i32
      scf.if %cond3A_343 {
        %add3A_386 = arith.constant 10 : i32
        %add3A_387 = arith.addi %mul3A_79, %add3A_386 : i32
        %add3A_388 = arith.constant 6 : i32
        %add3A_389 = arith.addi %add3A_387, %add3A_388 : i32
        %dma_start3A_390 = arith.constant 0 : i32
        %dma_start3A_391 = tpu.memref_slice %arg5[%add3A_389, %dma_start3A_390] : memref<200x128xi32, #tpu.memory_space<vmem>> -> memref<1x128xi32, #tpu.memory_space<vmem>>
        %dma_start3A_392 = tpu.memref_squeeze %dma_start3A_391 : memref<1x128xi32, #tpu.memory_space<vmem>> -> memref<128xi32, #tpu.memory_space<vmem>>
        %dma_start3A_393 = arith.constant 0 : i32
        %dma_start3A_394 = arith.constant 0 : i32
        %dma_start3A_395 = tpu.memref_slice %arg2[%dma_start3A_393, %dma_start3A_394] : memref<1000000x64xf32, #tpu.memory_space<hbm>> -> memref<1000000x64xf32, #tpu.memory_space<hbm>>
        tpu.enqueue_indirect_dma source(%dma_start3A_395 : memref<1000000x64xf32, #tpu.memory_space<hbm>>) target(%arg12 : memref<128x64xf32, #tpu.memory_space<vmem>>) offsets(%dma_start3A_392 : memref<128xi32, #tpu.memory_space<vmem>>) semaphore(%arg22 : memref<!tpu.dma_semaphore, #tpu.memory_space<semaphore_mem>>)
      } else {
      }
      %add3A_344 = arith.constant 7 : i32
      %add3A_345 = arith.addi %mul3A_79, %add3A_344 : i32
      %mul3A_346 = arith.constant 128 : i32
      %mul3A_347 = arith.muli %add3A_345, %mul3A_346 : i32
      %add3A_348 = arith.addi %mul3A_2, %mul3A_347 : i32
      %dma_wait3A_349 = arith.constant 0 : i32
      %dma_wait3A_350 = tpu.memref_slice %arg4[%add3A_348, %dma_wait3A_349] : memref<819200x64xf32, #tpu.memory_space<hbm>> -> memref<128x64xf32, #tpu.memory_space<hbm>>
      %dma_wait3A_351 = arith.constant 0 : i32
      %dma_wait3A_352 = tpu.memref_slice %arg4[%add3A_348, %dma_wait3A_351] : memref<819200x64xf32, #tpu.memory_space<hbm>> -> memref<128x64xf32, #tpu.memory_space<hbm>>
      tpu.wait_dma2 semaphore(%arg33 : memref<!tpu.dma_semaphore, #tpu.memory_space<semaphore_mem>>) src(%arg13 : memref<128x64xf32, #tpu.memory_space<vmem>>) dst(%dma_wait3A_352 : memref<128x64xf32, #tpu.memory_space<hbm>>)
      %lt3A_353 = arith.constant 19 : i32
      %lt3A_354 = arith.cmpi slt, %scan3A_77, %lt3A_353 : i32
      %convert_element_type3A_355 = arith.extui %lt3A_354 : i1 to i32
      %cond3A_356 = arith.constant 0 : i32
      %cond3A_357 = arith.cmpi ne, %convert_element_type3A_355, %cond3A_356 : i32
      scf.if %cond3A_357 {
        %add3A_386 = arith.constant 10 : i32
        %add3A_387 = arith.addi %mul3A_79, %add3A_386 : i32
        %add3A_388 = arith.constant 7 : i32
        %add3A_389 = arith.addi %add3A_387, %add3A_388 : i32
        %dma_start3A_390 = arith.constant 0 : i32
        %dma_start3A_391 = tpu.memref_slice %arg5[%add3A_389, %dma_start3A_390] : memref<200x128xi32, #tpu.memory_space<vmem>> -> memref<1x128xi32, #tpu.memory_space<vmem>>
        %dma_start3A_392 = tpu.memref_squeeze %dma_start3A_391 : memref<1x128xi32, #tpu.memory_space<vmem>> -> memref<128xi32, #tpu.memory_space<vmem>>
        %dma_start3A_393 = arith.constant 0 : i32
        %dma_start3A_394 = arith.constant 0 : i32
        %dma_start3A_395 = tpu.memref_slice %arg2[%dma_start3A_393, %dma_start3A_394] : memref<1000000x64xf32, #tpu.memory_space<hbm>> -> memref<1000000x64xf32, #tpu.memory_space<hbm>>
        tpu.enqueue_indirect_dma source(%dma_start3A_395 : memref<1000000x64xf32, #tpu.memory_space<hbm>>) target(%arg13 : memref<128x64xf32, #tpu.memory_space<vmem>>) offsets(%dma_start3A_392 : memref<128xi32, #tpu.memory_space<vmem>>) semaphore(%arg23 : memref<!tpu.dma_semaphore, #tpu.memory_space<semaphore_mem>>)
      } else {
      }
      %add3A_358 = arith.constant 8 : i32
      %add3A_359 = arith.addi %mul3A_79, %add3A_358 : i32
      %mul3A_360 = arith.constant 128 : i32
      %mul3A_361 = arith.muli %add3A_359, %mul3A_360 : i32
      %add3A_362 = arith.addi %mul3A_2, %mul3A_361 : i32
      %dma_wait3A_363 = arith.constant 0 : i32
      %dma_wait3A_364 = tpu.memref_slice %arg4[%add3A_362, %dma_wait3A_363] : memref<819200x64xf32, #tpu.memory_space<hbm>> -> memref<128x64xf32, #tpu.memory_space<hbm>>
      %dma_wait3A_365 = arith.constant 0 : i32
      %dma_wait3A_366 = tpu.memref_slice %arg4[%add3A_362, %dma_wait3A_365] : memref<819200x64xf32, #tpu.memory_space<hbm>> -> memref<128x64xf32, #tpu.memory_space<hbm>>
      tpu.wait_dma2 semaphore(%arg34 : memref<!tpu.dma_semaphore, #tpu.memory_space<semaphore_mem>>) src(%arg14 : memref<128x64xf32, #tpu.memory_space<vmem>>) dst(%dma_wait3A_366 : memref<128x64xf32, #tpu.memory_space<hbm>>)
      %lt3A_367 = arith.constant 19 : i32
      %lt3A_368 = arith.cmpi slt, %scan3A_77, %lt3A_367 : i32
      %convert_element_type3A_369 = arith.extui %lt3A_368 : i1 to i32
      %cond3A_370 = arith.constant 0 : i32
      %cond3A_371 = arith.cmpi ne, %convert_element_type3A_369, %cond3A_370 : i32
      scf.if %cond3A_371 {
        %add3A_386 = arith.constant 10 : i32
        %add3A_387 = arith.addi %mul3A_79, %add3A_386 : i32
        %add3A_388 = arith.constant 8 : i32
        %add3A_389 = arith.addi %add3A_387, %add3A_388 : i32
        %dma_start3A_390 = arith.constant 0 : i32
        %dma_start3A_391 = tpu.memref_slice %arg5[%add3A_389, %dma_start3A_390] : memref<200x128xi32, #tpu.memory_space<vmem>> -> memref<1x128xi32, #tpu.memory_space<vmem>>
        %dma_start3A_392 = tpu.memref_squeeze %dma_start3A_391 : memref<1x128xi32, #tpu.memory_space<vmem>> -> memref<128xi32, #tpu.memory_space<vmem>>
        %dma_start3A_393 = arith.constant 0 : i32
        %dma_start3A_394 = arith.constant 0 : i32
        %dma_start3A_395 = tpu.memref_slice %arg2[%dma_start3A_393, %dma_start3A_394] : memref<1000000x64xf32, #tpu.memory_space<hbm>> -> memref<1000000x64xf32, #tpu.memory_space<hbm>>
        tpu.enqueue_indirect_dma source(%dma_start3A_395 : memref<1000000x64xf32, #tpu.memory_space<hbm>>) target(%arg14 : memref<128x64xf32, #tpu.memory_space<vmem>>) offsets(%dma_start3A_392 : memref<128xi32, #tpu.memory_space<vmem>>) semaphore(%arg24 : memref<!tpu.dma_semaphore, #tpu.memory_space<semaphore_mem>>)
      } else {
      }
      %add3A_372 = arith.constant 9 : i32
      %add3A_373 = arith.addi %mul3A_79, %add3A_372 : i32
      %mul3A_374 = arith.constant 128 : i32
      %mul3A_375 = arith.muli %add3A_373, %mul3A_374 : i32
      %add3A_376 = arith.addi %mul3A_2, %mul3A_375 : i32
      %dma_wait3A_377 = arith.constant 0 : i32
      %dma_wait3A_378 = tpu.memref_slice %arg4[%add3A_376, %dma_wait3A_377] : memref<819200x64xf32, #tpu.memory_space<hbm>> -> memref<128x64xf32, #tpu.memory_space<hbm>>
      %dma_wait3A_379 = arith.constant 0 : i32
      %dma_wait3A_380 = tpu.memref_slice %arg4[%add3A_376, %dma_wait3A_379] : memref<819200x64xf32, #tpu.memory_space<hbm>> -> memref<128x64xf32, #tpu.memory_space<hbm>>
      tpu.wait_dma2 semaphore(%arg35 : memref<!tpu.dma_semaphore, #tpu.memory_space<semaphore_mem>>) src(%arg15 : memref<128x64xf32, #tpu.memory_space<vmem>>) dst(%dma_wait3A_380 : memref<128x64xf32, #tpu.memory_space<hbm>>)
      %lt3A_381 = arith.constant 19 : i32
      %lt3A_382 = arith.cmpi slt, %scan3A_77, %lt3A_381 : i32
      %convert_element_type3A_383 = arith.extui %lt3A_382 : i1 to i32
      %cond3A_384 = arith.constant 0 : i32
      %cond3A_385 = arith.cmpi ne, %convert_element_type3A_383, %cond3A_384 : i32
      scf.if %cond3A_385 {
        %add3A_386 = arith.constant 10 : i32
        %add3A_387 = arith.addi %mul3A_79, %add3A_386 : i32
        %add3A_388 = arith.constant 9 : i32
        %add3A_389 = arith.addi %add3A_387, %add3A_388 : i32
        %dma_start3A_390 = arith.constant 0 : i32
        %dma_start3A_391 = tpu.memref_slice %arg5[%add3A_389, %dma_start3A_390] : memref<200x128xi32, #tpu.memory_space<vmem>> -> memref<1x128xi32, #tpu.memory_space<vmem>>
        %dma_start3A_392 = tpu.memref_squeeze %dma_start3A_391 : memref<1x128xi32, #tpu.memory_space<vmem>> -> memref<128xi32, #tpu.memory_space<vmem>>
        %dma_start3A_393 = arith.constant 0 : i32
        %dma_start3A_394 = arith.constant 0 : i32
        %dma_start3A_395 = tpu.memref_slice %arg2[%dma_start3A_393, %dma_start3A_394] : memref<1000000x64xf32, #tpu.memory_space<hbm>> -> memref<1000000x64xf32, #tpu.memory_space<hbm>>
        tpu.enqueue_indirect_dma source(%dma_start3A_395 : memref<1000000x64xf32, #tpu.memory_space<hbm>>) target(%arg15 : memref<128x64xf32, #tpu.memory_space<vmem>>) offsets(%dma_start3A_392 : memref<128xi32, #tpu.memory_space<vmem>>) semaphore(%arg25 : memref<!tpu.dma_semaphore, #tpu.memory_space<semaphore_mem>>)
      } else {
      }
    }
    %scan3A_76 = arith.constant 20 : i32
    return
  }
}

</mosaic_0001>

<sc_bundles>
// kernel: kernel.3.cloned.1.call-start
scs
__scs_entry_jumppad:
0x0: {  	(pc) =	sbr.rel $0x88, $3  }
0x1: {  	(tag) =	ssettag $0x0;
	lr =	simm.s32 $0x1  }
0x2: {  	[smem:$0x3F9F] =	sst lr;
	_ =	strace $0xD0000000  }
0x3: {  	_ = 	snop  }
0x4: {  	_ = 	snop  }
0x5: {  	_ = 	snop  }
0x6: {  	_ = 	snop  }
0x7: {  	_ = 	snop  }
__scs_overlays_trampoline_lowered:
0x8: {  	[smem:$0x3FAE] =	sst s0  }
0x9: {  	[smem:$0x3FAF] =	sst s1  }
0xa: {  	[smem:$0x3FB0] =	sst s2  }
0xb: {  	[smem:$0x3FB1] =	sst s3  }
0xc: {  	[smem:$0x3FB2] =	sst s4  }
0xd: {  	[smem:$0x3FB3] =	sst s5  }
0xe: {  	[smem:$0x3FB4] =	sst s6  }
0xf: {  	[smem:$0x3FB5] =	sst s7  }
0x10: {  	[smem:$0x3FB6] =	sst s8  }
0x11: {  	[smem:$0x3FB7] =	sst s9;
	s0 =	simm.s32 @!p0 $0x0  }
0x12: {  	s1 =	sld [smem:$0x3F9D];
	s0 =	simm.s32 @p0 $0x1  }
0x13: {  	[smem:$0x3FB8] =	sst s0;
	s0 =	simm.s32 @!p1 $0x0  }
0x14: {  	s2 =	sld [smem:$0x3F9C];
	s0 =	simm.s32 @p1 $0x1  }
0x15: {  	[smem:$0x3FB9] =	sst s0;
	s0 =	simm.s32 @!p2 $0x0  }
0x16: {  	s3 =	sld [smem:$0x3FDB];
	s0 =	simm.s32 @p2 $0x1  }
0x17: {  	s4 =	simm.s32 $0x1BF5;
	[smem:$0x3FBB] =	sst s0  }
0x18: {  	s0 =	sld [smem:$0x3F9E];
	_ =	swait.ge [sflag:s4], $0x0  }
0x19: {  	s7 =	sld [smem:$0x3F9F]  }
0x1a: {  	s8 =	sadd.s32 $0xFFFFE003, lr  }
0x1b: {  	s9 =	sadd.s32 $0xFFFFFEF7, lr;
	s5 =	simm.s32 $0xFFFFFFFF;
	p2 =	slt.u32 s8, $0xFFFFF086  }
0x1c: {  	p1 =	slt.u32 s9, $0xF7A;
	s5 =	simm.s32 @!p2 $0x0  }
0x1d: {  	s5 =	simm.s32 @p1 $0x1;
	p0 =	seq.s32 s7, s2  }
0x1e: {  	s7 =	smul.u32 @!p0 $0xF7A, s2;
	p2 =	seq.s32 @!p0 s5, $0x0  }
0x1f: {  	s9 =	smul.u32 $0xF7A, s1;
	s8 =	simm.s32 @!p0 $0x1BF5;
	p2 =	por !p2, p0  }
0x20: {  	[sflag:s8] =	ssyncset.s32 @!p0 $0xFFFFF086;
	s6 =	sadd.s32 @!p0 s3, s7;
	s7 =	simm.s32 @!p0 $0x108  }
0x21: {  	s3 =	sadd.s32 s3, s9;
	s6 =	sadd.s32 @!p0 $0x88, s6;
	s7 =	simm.s32 @p2 $0x1082  }
0x22: {  	[simem:s7], [sflag:s8] =	dma.local @!p0 [hbm:s6], $0xF7A  }
0x23: {  	s9 =	sor.u32 $0xD0000000, s2;
	s6 =	simm.s32 $0x108;
	_ =	swait.ge @!p0 [sflag:s8], $0x0  }
0x24: {  	s3 =	sadd.s32 $0x88, s3;
	s6 =	simm.s32 @!p1 $0x1082;
	[sflag:s4] =	ssyncset.s32 $0xFFFFF086  }
0x25: {  	[simem:s6], [sflag:s4] =	dma.local [hbm:s3], $0xF7A  }
0x26: {  	[smem:$0x3F9F] =	sst s1;
	(tag) =	ssettag s2;
	_ =	strace s9  }
0x27: {  	s1 =	sld [smem:$0x3FAF]  }
0x28: {  	s2 =	sld [smem:$0x3FB0]  }
0x29: {  	s4 =	sld [smem:$0x3FB2]  }
0x2a: {  	p0 =	seq.s32 s5, $0x0;
	s5 =	sld [smem:$0x3FB3]  }
0x2b: {  	s6 =	sld [smem:$0x3FB4]  }
0x2c: {  	s7 =	sld [smem:$0x3FB5]  }
0x2d: {  	s3 =	simm.s32 $0x108;
	s8 =	sld [smem:$0x3FB6]  }
0x2e: {  	s3 =	simm.s32 @!p0 $0x1082;
	s9 =	sld [smem:$0x3FB7]  }
0x2f: {  	lr =	sadd.s32 s0, s3;
	s0 =	sld [smem:$0x3FAE]  }
0x30: {  	s3 =	sld [smem:$0x3FB1]  }
0x31: {  	[smem:$0x3FBA] =	sst s10  }
0x32: {  	s10 =	sld [smem:$0x3FB8];
	_ =	sdelay $0x3  }
0x33: {  	p0 =	seq.s32 s10, $0x1;
	s10 =	sld [smem:$0x3FBA];
	_ =	sdelay $0x3  }
0x34: {  	[smem:$0x3FBA] =	sst s10  }
0x35: {  	s10 =	sld [smem:$0x3FB9];
	_ =	sdelay $0x3  }
0x36: {  	p1 =	seq.s32 s10, $0x1;
	s10 =	sld [smem:$0x3FBA];
	_ =	sdelay $0x3  }
0x37: {  	[smem:$0x3FBA] =	sst s10  }
0x38: {  	s10 =	sld [smem:$0x3FBB]  }
0x39: {  	_ = 	snop;
	(pc) =	sbr.ind lr, $3  }
0x3a: {  	_ = 	snop  }
0x3b: {  	_ = 	snop  }
0x3c: {  	p2 =	seq.s32 s10, $0x1;
	s10 =	sld [smem:$0x3FBA]  }
0x3d: {  	_ =	shalt  }
0x3e: {  	_ =	shalt  }
0x3f: {  	_ =	shalt  }
0x40: {  	_ =	shalt  }
0x41: {  	_ =	shalt  }
0x42: {  	_ =	shalt  }
0x43: {  	_ =	shalt  }
0x44: {  	_ =	shalt  }
0x45: {  	_ =	shalt  }
0x46: {  	_ =	shalt  }
0x47: {  	_ =	shalt  }
0x48: {  	_ =	shalt  }
0x49: {  	_ =	shalt  }
0x4a: {  	_ =	shalt  }
0x4b: {  	_ =	shalt  }
0x4c: {  	_ =	shalt  }
0x4d: {  	_ =	shalt  }
0x4e: {  	_ =	shalt  }
0x4f: {  	_ =	shalt  }
0x50: {  	_ =	shalt  }
0x51: {  	_ =	shalt  }
0x52: {  	_ =	shalt  }
0x53: {  	_ =	shalt  }
0x54: {  	_ =	shalt  }
0x55: {  	_ =	shalt  }
0x56: {  	_ =	shalt  }
0x57: {  	_ =	shalt  }
0x58: {  	_ =	shalt  }
0x59: {  	_ =	shalt  }
0x5a: {  	_ =	shalt  }
0x5b: {  	_ =	shalt  }
0x5c: {  	_ =	shalt  }
0x5d: {  	_ =	shalt  }
0x5e: {  	_ =	shalt  }
0x5f: {  	_ =	shalt  }
0x60: {  	_ =	shalt  }
0x61: {  	_ =	shalt  }
0x62: {  	_ =	shalt  }
0x63: {  	_ =	shalt  }
0x64: {  	_ =	shalt  }
0x65: {  	_ =	shalt  }
0x66: {  	_ =	shalt  }
0x67: {  	_ =	shalt  }
0x68: {  	_ =	shalt  }
0x69: {  	_ =	shalt  }
0x6a: {  	_ =	shalt  }
0x6b: {  	_ =	shalt  }
0x6c: {  	_ =	shalt  }
0x6d: {  	_ =	shalt  }
0x6e: {  	_ =	shalt  }
0x6f: {  	_ =	shalt  }
0x70: {  	_ =	shalt  }
0x71: {  	_ =	shalt  }
0x72: {  	_ =	shalt  }
0x73: {  	_ =	shalt  }
0x74: {  	_ =	shalt  }
0x75: {  	_ =	shalt  }
0x76: {  	_ =	shalt  }
0x77: {  	_ =	shalt  }
0x78: {  	_ =	shalt  }
0x79: {  	_ =	shalt  }
0x7a: {  	_ =	shalt  }
0x7b: {  	_ =	shalt  }
0x7c: {  	_ =	shalt  }
0x7d: {  	_ =	shalt  }
0x7e: {  	_ =	shalt  }
0x7f: {  	_ =	shalt  }
0x80: {  	_ =	shalt  }
0x81: {  	_ =	shalt  }
0x82: {  	_ =	shalt  }
0x83: {  	_ =	shalt  }
0x84: {  	_ =	shalt  }
0x85: {  	_ =	shalt  }
0x86: {  	_ =	shalt  }
0x87: {  	_ =	shalt  }
.Lfunc_end0:
.L_simem_size_0:
called_computation.1_lowered:
.L_overlay_start_0:
0x88: {  	s2 =	sld [smem:$0x3FD9]  }
0x89: {  	s3 =	sld [smem:$0x3FFE];
	_ =	sdelay $0x1  }
0x8a: {  	s1 =	srdreg.scid  }
0x8b: {  	s0 =	sand.u32 $0x1, s1  }
0x8c: {  	s17 =	sshll.u32 s0, $0xA;
	s2 =	sadd.s32 s3, s2  }
0x8d: {  	s2 =	sadd.s32 s2, s17  }
0x8e: {  	[smem:$0x3FC6] =	sst s2  }
0x8f: {  	_ = 	snop  }
0x90: {  	s2 =	sld [smem:$0x3FD0];
	(tm) =	ssettm $0x1  }
0x91: {  	s18 =	sld [smem:$0x3FFB];
	_ =	sdelay $0x3  }
0x92: {  	_ =	strace s18  }
0x93: {  	s3 =	sld [smem:$0x3FFC];
	_ =	sdelay $0x3  }
0x94: {  	_ =	strace s3  }
0x95: {  	s3 =	sld [smem:$0x3FFD];
	_ =	sdelay $0x3  }
0x96: {  	_ =	strace s3  }
0x97: {  	_ =	strace $0x8FFFFFFF  }
0x98: {  	s19 =	sld [smem:$0x3FDB];
	_ =	sdelay $0x1  }
0x99: {  	s4 =	simm.s32 $_scs_section_size  }
0x9a: {  	s5 =	simm.s32 $_size__tile_overlayer_lowered;
	s6 =	simm.s32 $_tile_overlayer_lowered  }
0x9b: {  	s22 =	simm.s32 $0x1BFF;
	s21 =	sshll.u32 s6, $0x1;
	s3 =	sadd.s32 s4, s19  }
0x9c: {  	s7 =	simm.s32 $0x0;
	s20 =	sshll.u32 s5, $0x1;
	s5 =	sadd.s32 s21, s3  }
0x9d: {  	[timem:s7], [sflag:s22] =	dma.local [hbm:s5], s20  }
0x9e: {  	_ =	swait.ge [sflag:s22], s20  }
0x9f: {  	s4 =	ssub.s32 $0x0, s20;
	[sflag:s22] =	ssyncset.done $0x0  }
0xa0: {  	[sflag:s22] =	ssyncadd.s32 s4;
	_ =	sdelay $0x1  }
0xa1: {  	s23 =	simm.s32 $0x1B8B  }
0xa2: {  	_ =	swait.ge [sflag:s23], $0x1  }
0xa3: {  	[sflag:s23] =	ssyncset.done $0x0  }
0xa4: {  	s25 =	simm.s32 $0x1B8E;
	s24 =	sld [smem:$0x3FFE];
	[sflag:s23] =	ssyncadd.s32 $0xFFFFFFFF  }
0xa5: {  	s26 =	simm.s32 $execute0_lowered;
	[smem:$0x3FD2] =	sst s25  }
0xa6: {  	s5 =	sshll.u32 s26, $0x1;
	_ =	strace $0x80000046;
	[dreg:$0x1] =	wrdreg $0xFFFFFFFF  }
0xa7: {  	s28 =	simm.s32 $_size_execute0_lowered;
	s3 =	sadd.s32 s3, s5;
	[dreg:$0x0] =	wrdreg $0x0  }
0xa8: {  	s5 =	sshll.u32 s28, $0x1;
	[dreg:$0x2] =	wrdreg s3  }
0xa9: {  	[dreg:$0x3] =	wrdreg s5  }
0xaa: {  	[dreg:$0x4] =	wrdreg $0xC0  }
0xab: {  	_ =	task [dreg:s7], $0x5FFFF  }
0xac: {  	[dreg:$0x1] =	wrdreg $0xFFFFFFFF  }
0xad: {  	[dreg:$0x0] =	wrdreg $0x60  }
0xae: {  	[dreg:$0x2] =	wrdreg s24  }
0xaf: {  	[dreg:$0x3] =	wrdreg s2  }
0xb0: {  	[dreg:$0x4] =	wrdreg $0x9  }
0xb1: {  	_ =	task.clear_ibuf [dreg:s7], $0x5FFFF;
	_ =	strace $0x90000046  }
0xb2: {  	s29 =	simm.s32 $0x9;
	_ =	strace $0x80000048  }
0xb3: {  	_ =	swait.ge [sflag:s29], $0x1  }
0xb4: {  	[sflag:s29] =	ssyncadd.s32 $0xFFFFFFFF  }
0xb5: {  	_ =	strace $0x90000048  }
0xb6: {  	_ =	sfence  }
0xb7: {  	s30 =	sld [smem:$0x0];
	_ =	sdelay $0x2  }
0xb8: {  	s31 =	sshll.u32 s1, $0xD;
	s1 =	sshrl.u32 s1, $0x2  }
0xb9: {  	s3 =	sand.u32 $0x4000, s31;
	s1 =	sadd.s32 s1, s30  }
0xba: {  	s0 =	sor.u32 s3, s0;
	s1 =	sshll.u32 s1, $0x11  }
0xbb: {  	s0 =	sor.u32 s1, s0  }
0xbc: {  	s0 =	sadd.s32 $0x8F2B, s0  }
0xbd: {  	[sflag:s0] =	ssyncadd.remote.s32 $0x1  }
0xbe: {  	_ =	sfence.sel $0xFFFF  }
0xbf: {  	[dreg:$0x0] =	wrdreg $0xFFFFFFFF;
	(pc) =	sbr.abs _section_cstart, $3  }
0xc0: {  	[dreg:$0x1] =	wrdreg $0xFFFFFFFF  }
0xc1: {  	_ =	task.clear_ibuf [dreg:s7], $0x2FFFF;
	_ =	strace $0x9FFFFFFF  }
0xc2: {  	(tm) =	ssettm $0x7FFFFFFF  }
0xc3: {  	_ =	shalt  }
tec
execute0_lowered:
.L_overlay_start_1:
0x0: {  	(tag) =	ssettag $0x1  }
0x1: {  	s0 =	srdreg.scid;
	s8 =	stileid.u32  }
0x2: {  	s1 =	rddreg [dreg:$0x0];
	s3 =	simm.s32 $0x0;
	s29 =	simm.s32 $0x6400  }
0x3: {  	s31 =	simm.s32 $0x8400;
	s28 =	simm.s32 $0x14400;
	s30 =	simm.s32 $0x16400  }
0x4: {  	s9 =	simm.s32 $0xB;
	s10 =	simm.s32 $0xC;
	s11 =	simm.s32 $0xD  }
0x5: {  	s12 =	simm.s32 $0xE;
	s13 =	simm.s32 $0xF;
	s14 =	simm.s32 $0x10  }
0x6: {  	s15 =	simm.s32 $0x11;
	s16 =	simm.s32 $0x12;
	s5 =	smul.u32 $0xC800, s8  }
0x7: {  	s0 =	sand.u32 $0x1, s0;
	s2 =	sshll.u32 s8, $0x1;
	s23 =	smul.u32 $0x64000, s8  }
0x8: {  	[smem:$0x7FF] =	sst s3;
	s4 =	sadd.s32 $0xF42E00, s1;
	s6 =	smul.u32 $0x6400, s0  }
0x9: {  	s2 =	sor.u32 s0, s2;
	s7 =	ssub.s32 $0x2, s0;
	s0 =	smul.u32 $0x32000, s0  }
0xa: {  	s8 =	simm.s32 $0xA;
	_ =	strace $0x80000047;
	s2 =	smul.u32 $0x6400, s2  }
0xb: {  	s17 =	sshrl.u32 s7, $0x1;
	s5 =	sadd.s32 s6, s5;
	s0 =	sadd.s32 s0, s23  }
0xc: {  	s23 =	simm.s32 $0x5;
	s6 =	simm.s32 $0x7;
	s18 =	sshll.u32 s5, $0x3  }
0xd: {  	s2 =	sshrl.u32 s2, $0x3;
	[dreg:$0xe] =	wrdreg s0;
	s19 =	sadd.s32 $0x2400, s18  }
0xe: {  	s0 =	simm.s32 $0xA400;
	s20 =	sadd.s32 $0x2000, s18;
	[dreg:$0x5] =	wrdreg s19  }
0xf: {  	s1 =	sadd.s32 s2, s1;
	s21 =	sor.u32 $0x1C00, s18;
	[dreg:$0x6] =	wrdreg s20  }
0x10: {  	s2 =	ssub.s32 s7, s17;
	s22 =	sor.u32 $0x1800, s18;
	[dreg:$0x7] =	wrdreg s21  }
0x11: {  	s5 =	sor.u32 $0x1400, s18;
	s24 =	sor.u32 $0x1000, s18;
	[dreg:$0x8] =	wrdreg s22  }
0x12: {  	s25 =	sor.u32 $0xC00, s18;
	s26 =	sor.u32 $0x800, s18;
	[dreg:$0x9] =	wrdreg s5  }
0x13: {  	s17 =	simm.s32 $0x8;
	s7 =	simm.s32 $0x9;
	[dreg:$0xa] =	wrdreg s24  }
0x14: {  	s1 =	sadd.s32 $0xA00, s1;
	s2 =	smax.u32 s2, $0x1;
	[dreg:$0xb] =	wrdreg s25  }
0x15: {  	[dreg:$0xc] =	wrdreg s26;
	s21 =	simm.s32 $0xC400;
	s24 =	simm.s32 $0xE400  }
.Ltmp0:
0x16: {  	s25 =	simm.s32 $0x10400;
	s26 =	simm.s32 $0x12400;
	(pc) =	sbr.rel .LBB2_1-.Ltmp0, $4  }
0x17: {  	s5 =	simm.s32 $0x6;
	s19 =	simm.s32 $0x13;
	[dreg:$0x3] =	wrdreg s1  }
0x18: {  	s20 =	simm.s32 $0x14;
	s22 =	simm.s32 $0x0;
	[dreg:$0x4] =	wrdreg s2  }
0x19: {  	s1 =	sor.u32 $0x400, s18;
	s18 =	simm.s32 $0x80;
	[dreg:$0xf] =	wrdreg s22  }
0x1a: {  	s2 =	simm.s32 $0x4;
	[dreg:$0xd] =	wrdreg s1;
	s1 =	simm.s32 $0x3  }
.LBB2_4:
0x1b: {  	_ =	swait.ge [sflag:s10], $0x2000  }
0x1c: {  	[sflag:s10] =	ssyncset.done $0x0  }
0x1d: {  	[sflag:s10] =	ssyncadd.s32 $0xFFFFE000  }
0x1e: {  	_ =	swait.ge [sflag:s11], $0x2000  }
0x1f: {  	[sflag:s11] =	ssyncset.done $0x0  }
0x20: {  	[sflag:s11] =	ssyncadd.s32 $0xFFFFE000  }
0x21: {  	_ =	swait.ge [sflag:s12], $0x2000  }
0x22: {  	[sflag:s12] =	ssyncset.done $0x0  }
0x23: {  	[sflag:s12] =	ssyncadd.s32 $0xFFFFE000  }
0x24: {  	_ =	swait.ge [sflag:s13], $0x2000  }
0x25: {  	[sflag:s13] =	ssyncset.done $0x0  }
0x26: {  	[sflag:s13] =	ssyncadd.s32 $0xFFFFE000  }
0x27: {  	_ =	swait.ge [sflag:s14], $0x2000  }
0x28: {  	[sflag:s14] =	ssyncset.done $0x0  }
0x29: {  	[sflag:s14] =	ssyncadd.s32 $0xFFFFE000  }
0x2a: {  	_ =	swait.ge [sflag:s15], $0x2000  }
0x2b: {  	[sflag:s15] =	ssyncset.done $0x0  }
0x2c: {  	[sflag:s15] =	ssyncadd.s32 $0xFFFFE000  }
0x2d: {  	_ =	swait.ge [sflag:s16], $0x2000  }
0x2e: {  	[sflag:s16] =	ssyncset.done $0x0  }
0x2f: {  	[sflag:s16] =	ssyncadd.s32 $0xFFFFE000  }
0x30: {  	_ =	swait.ge [sflag:s19], $0x2000  }
0x31: {  	[sflag:s19] =	ssyncset.done $0x0  }
0x32: {  	[sflag:s19] =	ssyncadd.s32 $0xFFFFE000  }
0x33: {  	_ =	swait.ge [sflag:s20], $0x2000  }
0x34: {  	s0 =	rddreg [dreg:$0xf]  }
0x35: {  	s22 =	rddreg [dreg:$0x4];
	s0 =	sadd.s32 $0x1, s0  }
0x36: {  	p0 =	sne.s32 s0, s22  }
.Ltmp1:
0x37: {  	_ = 	snop;
	(pc) =	sbr.rel @!p0 .LBB2_5-.Ltmp1, $4  }
0x38: {  	s21 =	simm.s32 $0xC400  }
0x39: {  	s24 =	simm.s32 $0xE400;
	s25 =	simm.s32 $0x10400;
	s26 =	simm.s32 $0x12400  }
0x3a: {  	s28 =	simm.s32 $0x14400;
	s30 =	simm.s32 $0x16400;
	[sflag:s20] =	ssyncset.done $0x0  }
0x3b: {  	[sflag:s20] =	ssyncadd.s32 $0xFFFFE000;
	[dreg:$0xf] =	wrdreg s0;
	s0 =	simm.s32 $0xA400  }
.LBB2_1:
0x3c: {  	s22 =	rddreg [dreg:$0x3]  }
0x3d: {  	[tilespmem:s3], [sflag:$0x15] =	stream.linear.gather [hbm4b:s22+s3], $0x6400, $0x38;
	[tilespmem:$0x1A400] =	vst v63  }
0x3e: {  	s22 =	simm.s32 $0x15  }
0x3f: {  	_ =	swait.ge [sflag:s22], $0x6400  }
0x40: {  	[sflag:s22] =	ssyncset.done $0x0  }
0x41: {  	[sflag:s22] =	ssyncadd.s32 $0xFFFF9C00  }
0x42: {  	[tilespmem:s29], [sflag:$0x1] =	stream.indirect.gather [hbm4b:s4+s18], $0x40, s3, s18, $0xb8;
	[tilespmem:$0x1A400] =	vst v63  }
0x43: {  	_ = 	snop  }
0x44: {  	[tilespmem:s31], [sflag:$0x2] =	stream.indirect.gather [hbm4b:s4+s18], $0x40, s18, s18, $0xb8;
	[tilespmem:$0x1A400] =	vst v63  }
0x45: {  	s22 =	simm.s32 $0x100  }
0x46: {  	[tilespmem:s0], [sflag:$0x3] =	stream.indirect.gather [hbm4b:s4+s18], $0x40, s22, s18, $0xb8;
	[tilespmem:$0x1A400] =	vst v63  }
0x47: {  	s22 =	simm.s32 $0x180  }
0x48: {  	[tilespmem:s21], [sflag:$0x4] =	stream.indirect.gather [hbm4b:s4+s18], $0x40, s22, s18, $0xb8;
	[tilespmem:$0x1A400] =	vst v63  }
0x49: {  	s22 =	simm.s32 $0x200  }
0x4a: {  	[tilespmem:s24], [sflag:$0x5] =	stream.indirect.gather [hbm4b:s4+s18], $0x40, s22, s18, $0xb8;
	[tilespmem:$0x1A400] =	vst v63  }
0x4b: {  	s24 =	simm.s32 $0x280  }
0x4c: {  	[tilespmem:s25], [sflag:$0x6] =	stream.indirect.gather [hbm4b:s4+s18], $0x40, s24, s18, $0xb8;
	[tilespmem:$0x1A400] =	vst v63  }
0x4d: {  	s21 =	simm.s32 $0x300  }
0x4e: {  	[tilespmem:s26], [sflag:$0x7] =	stream.indirect.gather [hbm4b:s4+s18], $0x40, s21, s18, $0xb8;
	[tilespmem:$0x1A400] =	vst v63  }
0x4f: {  	s22 =	simm.s32 $0x380  }
0x50: {  	[tilespmem:s28], [sflag:$0x8] =	stream.indirect.gather [hbm4b:s4+s18], $0x40, s22, s18, $0xb8;
	[tilespmem:$0x1A400] =	vst v63  }
0x51: {  	s0 =	simm.s32 $0x12400;
	s24 =	simm.s32 $0x400;
	s25 =	simm.s32 $0x480  }
0x52: {  	[tilespmem:s30], [sflag:$0x9] =	stream.indirect.gather [hbm4b:s4+s18], $0x40, s24, s18, $0xb8;
	[tilespmem:$0x1A400] =	vst v63  }
0x53: {  	s26 =	simm.s32 $0x18400;
	s22 =	rddreg [dreg:$0x1];
	s28 =	simm.s32 $0x10400  }
0x54: {  	[tilespmem:s26], [sflag:$0xA] =	stream.indirect.gather [hbm4b:s4+s18], $0x40, s25, s18, $0xb8;
	[tilespmem:$0x1A400] =	vst v63  }
0x55: {  	s30 =	simm.s32 $0x14400;
	s24 =	simm.s32 $0x0;
	s25 =	simm.s32 $0xE400  }
.LBB2_2:
0x56: {  	s26 =	simm.s32 $0x1  }
0x57: {  	_ =	swait.ge [sflag:s26], $0x2000  }
0x58: {  	[sflag:s26] =	ssyncset.done $0x0;
	s21 =	rddreg [dreg:$0xe]  }
0x59: {  	[sflag:s26] =	ssyncadd.s32 $0xFFFFE000;
	s26 =	sadd.s32 s22, s21;
	s21 =	simm.s32 $0x2  }
0x5a: {  	[hbm4b:s26+s3] =	stream.linear.scatter [tilespmem:s29], [sflag:$0xB], $0x2000, $0x38;
	[tilespmem:$0x1A400] =	vst v63  }
0x5b: {  	_ =	swait.ge [sflag:s21], $0x2000  }
0x5c: {  	[sflag:s21] =	ssyncset.done $0x0  }
0x5d: {  	[sflag:s21] =	ssyncadd.s32 $0xFFFFE000;
	s21 =	rddreg [dreg:$0xd]  }
0x5e: {  	s26 =	sadd.s32 s22, s21  }
0x5f: {  	[hbm4b:s26+s3] =	stream.linear.scatter [tilespmem:s31], [sflag:$0xC], $0x2000, $0x38;
	[tilespmem:$0x1A400] =	vst v63  }
0x60: {  	_ =	swait.ge [sflag:s1], $0x2000  }
0x61: {  	[sflag:s1] =	ssyncset.done $0x0;
	s21 =	rddreg [dreg:$0xc]  }
0x62: {  	[sflag:s1] =	ssyncadd.s32 $0xFFFFE000;
	s26 =	sadd.s32 s22, s21;
	s21 =	simm.s32 $0xA400  }
0x63: {  	[hbm4b:s26+s3] =	stream.linear.scatter [tilespmem:s21], [sflag:$0xD], $0x2000, $0x38;
	[tilespmem:$0x1A400] =	vst v63  }
0x64: {  	_ =	swait.ge [sflag:s2], $0x2000  }
0x65: {  	[sflag:s2] =	ssyncset.done $0x0;
	s21 =	rddreg [dreg:$0xb]  }
0x66: {  	[sflag:s2] =	ssyncadd.s32 $0xFFFFE000;
	s26 =	sadd.s32 s22, s21;
	s21 =	simm.s32 $0xC400  }
0x67: {  	[hbm4b:s26+s3] =	stream.linear.scatter [tilespmem:s21], [sflag:$0xE], $0x2000, $0x38;
	[tilespmem:$0x1A400] =	vst v63  }
0x68: {  	_ =	swait.ge [sflag:s23], $0x2000  }
0x69: {  	[sflag:s23] =	ssyncset.done $0x0;
	s21 =	rddreg [dreg:$0xa]  }
0x6a: {  	[sflag:s23] =	ssyncadd.s32 $0xFFFFE000;
	s26 =	sadd.s32 s22, s21  }
0x6b: {  	[hbm4b:s26+s3] =	stream.linear.scatter [tilespmem:s25], [sflag:$0xF], $0x2000, $0x38;
	[tilespmem:$0x1A400] =	vst v63  }
0x6c: {  	_ =	swait.ge [sflag:s5], $0x2000  }
0x6d: {  	[sflag:s5] =	ssyncset.done $0x0;
	s21 =	rddreg [dreg:$0x9]  }
0x6e: {  	[sflag:s5] =	ssyncadd.s32 $0xFFFFE000;
	s26 =	sadd.s32 s22, s21  }
0x6f: {  	[hbm4b:s26+s3] =	stream.linear.scatter [tilespmem:s28], [sflag:$0x10], $0x2000, $0x38;
	[tilespmem:$0x1A400] =	vst v63  }
0x70: {  	_ =	swait.ge [sflag:s6], $0x2000  }
0x71: {  	[sflag:s6] =	ssyncset.done $0x0;
	s21 =	rddreg [dreg:$0x8]  }
0x72: {  	[sflag:s6] =	ssyncadd.s32 $0xFFFFE000;
	s26 =	sadd.s32 s22, s21  }
0x73: {  	[hbm4b:s26+s3] =	stream.linear.scatter [tilespmem:s0], [sflag:$0x11], $0x2000, $0x38;
	[tilespmem:$0x1A400] =	vst v63  }
0x74: {  	_ =	swait.ge [sflag:s17], $0x2000  }
0x75: {  	[sflag:s17] =	ssyncset.done $0x0;
	s21 =	rddreg [dreg:$0x7]  }
0x76: {  	[sflag:s17] =	ssyncadd.s32 $0xFFFFE000;
	s26 =	sadd.s32 s22, s21  }
0x77: {  	[hbm4b:s26+s3] =	stream.linear.scatter [tilespmem:s30], [sflag:$0x12], $0x2000, $0x38;
	[tilespmem:$0x1A400] =	vst v63  }
0x78: {  	_ =	swait.ge [sflag:s7], $0x2000  }
0x79: {  	[sflag:s7] =	ssyncset.done $0x0;
	s21 =	rddreg [dreg:$0x6]  }
0x7a: {  	[sflag:s7] =	ssyncadd.s32 $0xFFFFE000;
	s26 =	sadd.s32 s22, s21;
	s21 =	simm.s32 $0x16400  }
0x7b: {  	[hbm4b:s26+s3] =	stream.linear.scatter [tilespmem:s21], [sflag:$0x13], $0x2000, $0x38;
	[tilespmem:$0x1A400] =	vst v63  }
0x7c: {  	_ =	swait.ge [sflag:s8], $0x2000  }
0x7d: {  	[sflag:s8] =	ssyncset.done $0x0  }
0x7e: {  	p0 =	seq.s32 s24, $0x17C00;
	s21 =	rddreg [dreg:$0x5];
	[sflag:s8] =	ssyncadd.s32 $0xFFFFE000  }
.Ltmp2:
0x7f: {  	s26 =	sadd.s32 s22, s21;
	s21 =	simm.s32 $0x18400;
	(pc) =	sbr.rel @p0 .LBB2_4-.Ltmp2, $4  }
0x80: {  	[hbm4b:s26+s3] =	stream.linear.scatter [tilespmem:s21], [sflag:$0x14], $0x2000, $0x38;
	[tilespmem:$0x1A400] =	vst v63  }
0x81: {  	_ =	swait.ge [sflag:s9], $0x2000  }
0x82: {  	[sflag:s9] =	ssyncset.done $0x0  }
0x83: {  	[sflag:s9] =	ssyncadd.s32 $0xFFFFE000  }
0x84: {  	s26 =	sshra.s32 s24, $0x2  }
0x85: {  	s31 =	simm.s32 $0x6400;
	s29 =	sadd.s32 $0x500, s26  }
0x86: {  	[tilespmem:s31], [sflag:$0x1] =	stream.indirect.gather [hbm4b:s4+s18], $0x40, s29, s18, $0xb8;
	[tilespmem:$0x1A400] =	vst v63  }
0x87: {  	_ =	swait.ge [sflag:s10], $0x2000  }
0x88: {  	[sflag:s10] =	ssyncset.done $0x0  }
0x89: {  	s31 =	simm.s32 $0x8400;
	s29 =	sadd.s32 $0x580, s26;
	[sflag:s10] =	ssyncadd.s32 $0xFFFFE000  }
0x8a: {  	[tilespmem:s31], [sflag:$0x2] =	stream.indirect.gather [hbm4b:s4+s18], $0x40, s29, s18, $0xb8;
	[tilespmem:$0x1A400] =	vst v63  }
0x8b: {  	_ =	swait.ge [sflag:s11], $0x2000  }
0x8c: {  	[sflag:s11] =	ssyncset.done $0x0  }
0x8d: {  	s21 =	simm.s32 $0xA400;
	s29 =	sadd.s32 $0x600, s26;
	[sflag:s11] =	ssyncadd.s32 $0xFFFFE000  }
0x8e: {  	[tilespmem:s21], [sflag:$0x3] =	stream.indirect.gather [hbm4b:s4+s18], $0x40, s29, s18, $0xb8;
	[tilespmem:$0x1A400] =	vst v63  }
0x8f: {  	_ =	swait.ge [sflag:s12], $0x2000  }
0x90: {  	[sflag:s12] =	ssyncset.done $0x0  }
0x91: {  	s29 =	sadd.s32 $0x680, s26;
	s21 =	simm.s32 $0xC400;
	[sflag:s12] =	ssyncadd.s32 $0xFFFFE000  }
0x92: {  	[tilespmem:s21], [sflag:$0x4] =	stream.indirect.gather [hbm4b:s4+s18], $0x40, s29, s18, $0xb8;
	[tilespmem:$0x1A400] =	vst v63  }
0x93: {  	_ =	swait.ge [sflag:s13], $0x2000  }
0x94: {  	[sflag:s13] =	ssyncset.done $0x0  }
0x95: {  	s29 =	sadd.s32 $0x700, s26;
	[sflag:s13] =	ssyncadd.s32 $0xFFFFE000  }
0x96: {  	[tilespmem:s25], [sflag:$0x5] =	stream.indirect.gather [hbm4b:s4+s18], $0x40, s29, s18, $0xb8;
	[tilespmem:$0x1A400] =	vst v63  }
0x97: {  	_ =	swait.ge [sflag:s14], $0x2000  }
0x98: {  	[sflag:s14] =	ssyncset.done $0x0  }
0x99: {  	s29 =	sadd.s32 $0x780, s26;
	[sflag:s14] =	ssyncadd.s32 $0xFFFFE000  }
0x9a: {  	[tilespmem:s28], [sflag:$0x6] =	stream.indirect.gather [hbm4b:s4+s18], $0x40, s29, s18, $0xb8;
	[tilespmem:$0x1A400] =	vst v63  }
0x9b: {  	_ =	swait.ge [sflag:s15], $0x2000  }
0x9c: {  	[sflag:s15] =	ssyncset.done $0x0  }
0x9d: {  	s29 =	sadd.s32 $0x800, s26;
	[sflag:s15] =	ssyncadd.s32 $0xFFFFE000  }
0x9e: {  	[tilespmem:s0], [sflag:$0x7] =	stream.indirect.gather [hbm4b:s4+s18], $0x40, s29, s18, $0xb8;
	[tilespmem:$0x1A400] =	vst v63  }
0x9f: {  	_ =	swait.ge [sflag:s16], $0x2000  }
0xa0: {  	[sflag:s16] =	ssyncset.done $0x0  }
0xa1: {  	s29 =	sadd.s32 $0x880, s26;
	[sflag:s16] =	ssyncadd.s32 $0xFFFFE000  }
0xa2: {  	[tilespmem:s30], [sflag:$0x8] =	stream.indirect.gather [hbm4b:s4+s18], $0x40, s29, s18, $0xb8;
	[tilespmem:$0x1A400] =	vst v63  }
0xa3: {  	_ =	swait.ge [sflag:s19], $0x2000  }
0xa4: {  	[sflag:s19] =	ssyncset.done $0x0  }
0xa5: {  	s21 =	simm.s32 $0x16400;
	s29 =	sadd.s32 $0x900, s26;
	[sflag:s19] =	ssyncadd.s32 $0xFFFFE000  }
0xa6: {  	[tilespmem:s21], [sflag:$0x9] =	stream.indirect.gather [hbm4b:s4+s18], $0x40, s29, s18, $0xb8;
	[tilespmem:$0x1A400] =	vst v63  }
.Ltmp3:
0xa7: {  	_ = 	snop;
	(pc) =	sbr.rel .LBB2_2-.Ltmp3, $4  }
0xa8: {  	s24 =	sadd.s32 $0x1400, s24;
	_ =	swait.ge [sflag:s20], $0x2000  }
0xa9: {  	s22 =	sadd.s32 $0x2800, s22;
	s26 =	sadd.s32 $0x980, s26;
	[sflag:s20] =	ssyncset.done $0x0  }
0xaa: {  	s29 =	simm.s32 $0x6400;
	s21 =	simm.s32 $0x18400;
	[sflag:s20] =	ssyncadd.s32 $0xFFFFE000  }
0xab: {  	[tilespmem:s21], [sflag:$0xA] =	stream.indirect.gather [hbm4b:s4+s18], $0x40, s26, s18, $0xb8;
	[tilespmem:$0x1A400] =	vst v63  }
.LBB2_5:
0xac: {  	_ =	sfence.sel $0x180000  }
0xad: {  	[bflag:$0x0] =	sbarrier.arrive $0xFFFF  }
0xae: {  	_ =	strace $0x90000047  }
0xaf: {  	s0 =	stileid.u32;
	[bflag:$0x2] =	sbarrier.arrive $0xFFFF  }
0xb0: {  	p0 =	sne.s32 s0, $0x0;
	s0 =	rddreg [dreg:$0x2]  }
0xb1: {  	s0 =	sadd.s32 @!p0 $0x100000, s0  }
0xb2: {  	[sflag:s0] =	ssyncadd.tile.s32 @!p0 $0x1;
	_ =	shalt  }
.Lfunc_end2:
_tile_overlayer_lowered:
.L_overlay_start_2:
0xb3: {  	(tag) =	ssettag $0x2  }
0xb4: {  	s0 =	rddreg [dreg:$0x0];
	s2 =	stileid.u32  }
0xb5: {  	s1 =	rddreg [dreg:$0x1];
	p0 =	sne.s32 s2, $0x0  }
0xb6: {  	s3 =	rddreg [dreg:$0x2];
	[bflag:$0x3] =	sbarrier.arrive $0xFFFF;
	s2 =	simm.s32 @!p0 $0x1C15  }
0xb7: {  	[timem:s3], [sflag:s2] =	dma.local @!p0 [hbm:s0], s1  }
0xb8: {  	s0 =	simm.s32 @!p0 $0x15  }
0xb9: {  	_ =	swait.ge @!p0 [sflag:s0], s1  }
0xba: {  	s1 =	ssub.s32 @!p0 $0x0, s1;
	[sflag:s0] =	ssyncset.done @!p0 $0x0  }
0xbb: {  	[sflag:s0] =	ssyncadd.s32 @!p0 s1  }
0xbc: {  	[bflag:$0x3] =	sbarrier.arrive $0xFFFF  }
0xbd: {  	_ =	shalt  }

// kernel: sparse-core-data-format-call.cloned.1.call-start
scs
called_computation_lowered:
.L_overlay_start_0:
0x0: {  	s2 =	sld [smem:$0x3FD9]  }
0x1: {  	s3 =	sld [smem:$0x3FFE];
	_ =	sdelay $0x1  }
0x2: {  	s1 =	srdreg.scid  }
0x3: {  	s0 =	sand.u32 $0x1, s1  }
0x4: {  	s18 =	sshll.u32 s0, $0xA;
	s2 =	sadd.s32 s3, s2  }
0x5: {  	s2 =	sadd.s32 s2, s18  }
0x6: {  	[smem:$0x3FC6] =	sst s2  }
0x7: {  	_ = 	snop  }
0x8: {  	s2 =	sld [smem:$0x3FD0];
	(tm) =	ssettm $0x1  }
0x9: {  	s19 =	sld [smem:$0x3FFB];
	_ =	sdelay $0x3  }
0xa: {  	_ =	strace s19  }
0xb: {  	s3 =	sld [smem:$0x3FFC];
	_ =	sdelay $0x3  }
0xc: {  	_ =	strace s3  }
0xd: {  	s3 =	sld [smem:$0x3FFD];
	_ =	sdelay $0x3  }
0xe: {  	_ =	strace s3  }
0xf: {  	_ =	strace $0x8FFFFFFF  }
0x10: {  	s20 =	sld [smem:$0x3FDB];
	_ =	sdelay $0x1  }
0x11: {  	s4 =	simm.s32 $_scs_section_size  }
0x12: {  	s5 =	simm.s32 $_size__tile_overlayer_lowered;
	s6 =	simm.s32 $_tile_overlayer_lowered  }
0x13: {  	s23 =	simm.s32 $0x1BFF;
	s22 =	sshll.u32 s6, $0x1;
	s3 =	sadd.s32 s4, s20  }
0x14: {  	s7 =	simm.s32 $0x0;
	s21 =	sshll.u32 s5, $0x1;
	s5 =	sadd.s32 s22, s3  }
0x15: {  	[timem:s7], [sflag:s23] =	dma.local [hbm:s5], s21  }
0x16: {  	_ =	swait.ge [sflag:s23], s21  }
0x17: {  	s4 =	ssub.s32 $0x0, s21;
	[sflag:s23] =	ssyncset.done $0x0  }
0x18: {  	[sflag:s23] =	ssyncadd.s32 s4;
	_ =	sdelay $0x1  }
0x19: {  	s24 =	simm.s32 $0x1B8B  }
0x1a: {  	_ =	swait.ge [sflag:s24], $0x1  }
0x1b: {  	[sflag:s24] =	ssyncset.done $0x0  }
0x1c: {  	s26 =	simm.s32 $0x1B8E;
	s25 =	sld [smem:$0x3FFE];
	[sflag:s24] =	ssyncadd.s32 $0xFFFFFFFF  }
0x1d: {  	s27 =	simm.s32 $execute0_lowered;
	[smem:$0x3FD2] =	sst s26  }
0x1e: {  	s5 =	sshll.u32 s27, $0x1;
	_ =	strace $0x80000049;
	[dreg:$0x1] =	wrdreg $0xFFFFFFFF  }
0x1f: {  	s28 =	simm.s32 $_size_execute0_lowered;
	s3 =	sadd.s32 s3, s5;
	[dreg:$0x0] =	wrdreg $0x0  }
0x20: {  	s5 =	sshll.u32 s28, $0x1;
	[dreg:$0x2] =	wrdreg s3  }
0x21: {  	[dreg:$0x3] =	wrdreg s5  }
0x22: {  	[dreg:$0x4] =	wrdreg $0xC0  }
0x23: {  	_ =	task [dreg:s7], $0x5FFFF  }
0x24: {  	[dreg:$0x1] =	wrdreg $0xFFFFFFFF  }
0x25: {  	[dreg:$0x0] =	wrdreg $0x60  }
0x26: {  	[dreg:$0x2] =	wrdreg s25  }
0x27: {  	[dreg:$0x3] =	wrdreg s2  }
0x28: {  	[dreg:$0x4] =	wrdreg $0x9  }
0x29: {  	_ =	task.clear_ibuf [dreg:s7], $0x5FFFF;
	_ =	strace $0x90000049  }
0x2a: {  	s29 =	simm.s32 $0x9;
	_ =	strace $0x8000004B  }
0x2b: {  	_ =	swait.ge [sflag:s29], $0x1  }
0x2c: {  	[sflag:s29] =	ssyncadd.s32 $0xFFFFFFFF  }
0x2d: {  	_ =	strace $0x9000004B  }
0x2e: {  	_ =	sfence  }
0x2f: {  	s30 =	sld [smem:$0x0];
	_ =	sdelay $0x2  }
0x30: {  	s31 =	sshll.u32 s1, $0xD;
	s1 =	sshrl.u32 s1, $0x2  }
0x31: {  	s3 =	sand.u32 $0x4000, s31;
	s1 =	sadd.s32 s1, s30  }
0x32: {  	s0 =	sor.u32 s3, s0;
	s1 =	sshll.u32 s1, $0x11  }
0x33: {  	s0 =	sor.u32 s1, s0  }
0x34: {  	s0 =	sadd.s32 $0x8F2B, s0  }
0x35: {  	[sflag:s0] =	ssyncadd.remote.s32 $0x1  }
0x36: {  	_ =	sfence.sel $0xFFFF  }
0x37: {  	[dreg:$0x0] =	wrdreg $0xFFFFFFFF;
	(pc) =	sbr.abs _section_cstart, $3  }
0x38: {  	[dreg:$0x1] =	wrdreg $0xFFFFFFFF  }
0x39: {  	_ =	task.clear_ibuf [dreg:s7], $0x2FFFF;
	_ =	strace $0x9FFFFFFF  }
0x3a: {  	(tm) =	ssettm $0x7FFFFFFF  }
0x3b: {  	_ =	shalt  }
tec
execute0_lowered:
.L_overlay_start_1:
0x0: {  	(tag) =	ssettag $0x1  }
0x1: {  	s0 =	srdreg.scid  }
0x2: {  	s1 =	sshll.u32 s0, $0x4  }
0x3: {  	s0 =	stileid.u32;
	s1 =	sand.u32 $0x10, s1  }
0x4: {  	s1 =	sor.u32 s0, s1  }
0x5: {  	s6 =	rddreg [dreg:$0x0];
	s4 =	simm.s32 $0x1;
	s2 =	sshll.u32 s1, $0x7  }
0x6: {  	s7 =	simm.s32 $0x2;
	s12 =	simm.s32 $0x0;
	s1 =	ssub.s32 $0x4000, s2  }
0x7: {  	s8 =	simm.s32 $0x20000;
	s13 =	simm.s32 $0x0;
	s3 =	sand.u32 $0xF80, s1  }
0x8: {  	s9 =	simm.s32 $0x0;
	s5 =	sshrl.u32 s1, $0xC;
	p0 =	sne.s32 s3, $0x0  }
.Ltmp0:
0x9: {  	s1 =	rddreg [dreg:$0x2];
	s4 =	simm.s32 @!p0 $0x0;
	(pc) =	sbr.rel .LBB1_1-.Ltmp0, $4  }
0xa: {  	s11 =	simm.s32 $0x0;
	s3 =	rddreg [dreg:$0x1];
	s5 =	sadd.s32 s4, s5  }
0xb: {  	_ =	strace $0x8000004A;
	s4 =	simm.s32 $0x1;
	s5 =	smul.u32 $0x32, s5  }
0xc: {  	s6 =	sadd.s32 $0xA00, s6;
	s10 =	smov.u32 s2;
	[sflag:s4] =	ssyncpa.u1 $0x0  }
0xd: {  	p0 =	por $0x0, $0x0;
	[sflag:s7] =	ssyncpa.u1 $0x0;
	s7 =	sor.u32 $0x1, s5  }
.LBB1_4:
0xe: {  	s16 =	sshll.u32 s13, $0x3;
	s17 =	sand.u32 $0x78, s13  }
0xf: {  	s30 =	sand.u32 $0x1F800, s13;
	s12 =	sshll.u32 s12, $0x11;
	s16 =	sand.u32 $0x3C00, s16  }
0x10: {  	[tilespmem:s15+$0x810 ss:$0x81] =	vst.msk $0xffff, v2;
	s31 =	sand.u32 $0x7, s13;
	s16 =	sor.u32 s17, s16;
	s17 =	sadd.s32 s3, s30  }
0x11: {  	[tilespmem:s15+$0x1020 ss:$0x81] =	vst.msk $0xffff, v0;
	s13 =	sshll.u32 s31, $0x12;
	s12 =	sadd.s32 s12, s17;
	s16 =	sshrl.u32 s16, $0x3  }
0x12: {  	[tilespmem:s15+$0x0 ss:$0x81] =	vst.msk $0xffff, v1;
	s13 =	sor.u32 $0x400, s13;
	s12 =	sadd.s32 s16, s12  }
0x13: {  	[hbm4b:s12+s13] =	stream.strided.scatter [tilespmem:s14], [sflag:$0x2], $0x2000, s8, s13, $0x20;
	[tilespmem:$0x8080] =	vst v63  }
.LBB1_5:
0x14: {  	s14 =	sadd.s32 $0x1, s9  }
0x15: {  	s12 =	sadd.s32 $0x1000, s10;
	s16 =	smov.u32 s10;
	p2 =	sgt.s32 s14, $0x31  }
0x16: {  	s16 =	smov.u32 @p2 s12  }
0x17: {  	s14 =	simm.s32 @p2 $0x0;
	p2 =	sgt.s32 s16, $0x3FFF  }
0x18: {  	s16 =	smov.u32 @p2 s2;
	p2 =	sne.s32 s11, s7  }
.Ltmp1:
0x19: {  	p1 =	slt.u32 s11, $0x2;
	(pc) =	sbr.rel @!p2 .LBB1_6-.Ltmp1, $4  }
0x1a: {  	s15 =	simm.s32 @!p1 $0x2  }
0x1b: {  	s13 =	smov.u32 s10;
	p0 =	por !p0, !p0;
	_ =	swait.ge @!p1 [sflag:s15], $0x2000  }
0x1c: {  	s12 =	smov.u32 s9;
	[sflag:s15] =	ssyncset.done @!p1 $0x0;
	s9 =	smov.u32 s14  }
0x1d: {  	s11 =	sadd.s32 $0x1, s11;
	[sflag:s15] =	ssyncadd.s32 @!p1 $0xFFFFE000;
	s10 =	smov.u32 s16  }
.LBB1_1:
0x1e: {  	p1 =	sge.u32 s11, s5  }
0x1f: {  	s14 =	sand.u32 @!p1 $0x1FFFFFF, s9  }
0x20: {  	s15 =	smulhi.u32 @!p1 $0x4924925, s14;
	_ =	sdelay $0x1  }
0x21: {  	s15 =	smul.u32 @!p1 $0x38, s15  }
0x22: {  	s16 =	sxor.u32 @!p1 $0xFFFFFFFF, s11;
	s17 =	smul.u32 @!p1 $0x380, s10  }
0x23: {  	s31 =	sadd.s32 $0xFFFFFFFF, s11;
	s16 =	sshll.u32 @!p1 s16, $0xD;
	s14 =	ssub.s32 @!p1 s14, s15  }
0x24: {  	s15 =	sand.u32 @!p1 $0x2000, s16;
	s16 =	sadd.s32 @!p1 s6, s17;
	s14 =	sshll.u32 @!p1 s14, $0x4  }
0x25: {  	s17 =	simm.s32 @!p1 $0x1C00;
	s14 =	sadd.s32 @!p1 s14, s16;
	s16 =	simm.s32 @!p1 $0x40  }
0x26: {  	[tilespmem:s15], [sflag:$0x1] =	stream.strided.gather @!p1 [hbm4b:s14+s16], $0x2000, s17, s16, $0x38;
	[tilespmem:$0x8080] =	vst v63  }
0x27: {  	p1 =	sge.u32 s31, s5  }
.Ltmp2:
0x28: {  	_ = 	snop;
	(pc) =	sbr.rel @p1 .LBB1_5-.Ltmp2, $1  }
0x29: {  	_ =	sdelay $0x3  }
0x2a: {  	s14 =	simm.s32 $0x1  }
0x2b: {  	_ =	swait.ge [sflag:s4], $0x2000;
	s14 =	simm.s32 @!p0 $0x0  }
0x2c: {  	[sflag:s4] =	ssyncset.done $0x0;
	s15 =	sshll.u32 s14, $0xD  }
0x2d: {  	[sflag:s4] =	ssyncadd.s32 $0xFFFFE000;
	s18 =	sor.u32 $0x20, s15  }
0x2e: {  	s14 =	smul.u32 $0x8100, s14;
	v3 =	vld [tilespmem:s18+$0x10]  }
0x2f: {  	s30 =	sand.u32 $0x1, s11;
	v2 =	vld [tilespmem:s18+$0xFFFFFFF0]  }
0x30: {  	s15 =	smul.u32 $0x8100, s30;
	s14 =	sshrl.u32 s14, $0x2;
	v0 =	vld [tilespmem:s18+$0x0]  }
0x31: {  	v1 =	vld [tilespmem:s18+$0xFFFFFFE0];
	s16 =	sor.u32 $0x4000, s14  }
0x32: {  	s31 =	sshrl.u32 s15, $0x2;
	s15 =	sadd.s32 $0x0, s16  }
0x33: {  	s17 =	simm.s32 $0x4;
	s18 =	sadd.s32 $0x40, s18;
	s14 =	sor.u32 $0x4000, s31;
	[tilespmem:s15+$0x1830 ss:$0x81] =	vst.msk $0xffff, v3  }
.LBB1_3:
0x34: {  	v3 =	vld [tilespmem:s18+$0x10];
	p1 =	sne.s32 s17, $0x1FC;
	[tilespmem:s15+$0x810 ss:$0x81] =	vst.msk $0xffff, v2;
	s19 =	smov.u32 s17;
	s17 =	sadd.s32 $0x4, s17  }
.Ltmp3:
0x35: {  	v2 =	vld [tilespmem:s18+$0xFFFFFFF0];
	[tilespmem:s15+$0x1020 ss:$0x81] =	vst.msk $0xffff, v0;
	(pc) =	sbr.rel @p1 .LBB1_3-.Ltmp3, $4  }
0x36: {  	v0 =	vld [tilespmem:s18+$0x0];
	[tilespmem:s15+$0x0 ss:$0x81] =	vst.msk $0xffff, v1  }
0x37: {  	s15 =	sshra.s32 s19, $0x2;
	v1 =	vld [tilespmem:s18+$0xFFFFFFE0]  }
0x38: {  	s15 =	sadd.s32 s15, s16  }
0x39: {  	s18 =	sadd.s32 $0x40, s18;
	[tilespmem:s15+$0x1830 ss:$0x81] =	vst.msk $0xffff, v3  }
.Ltmp4:
0x3a: {  	_ = 	snop;
	(pc) =	sbr.rel .LBB1_4-.Ltmp4, $1  }
0x3b: {  	_ =	sdelay $0x3  }
.LBB1_6:
0x3c: {  	_ =	sfence.sel $0x180000  }
0x3d: {  	s2 =	simm.s32 $0x1;
	[bflag:$0x0] =	sbarrier.arrive $0xFFFF  }
0x3e: {  	s31 =	simm.s32 $0x2;
	[sflag:s2] =	ssyncpa.u1 $0x1  }
0x3f: {  	[sflag:s31] =	ssyncpa.u1 $0x1  }
0x40: {  	p0 =	sne.s32 s0, $0x0;
	_ =	strace $0x9000004A  }
0x41: {  	s0 =	sadd.s32 @!p0 $0x100000, s1;
	[bflag:$0x2] =	sbarrier.arrive $0xFFFF  }
0x42: {  	[sflag:s0] =	ssyncadd.tile.s32 @!p0 $0x1;
	_ =	shalt  }
.Lfunc_end1:
_tile_overlayer_lowered:
.L_overlay_start_2:
0x43: {  	(tag) =	ssettag $0x2  }
0x44: {  	s0 =	rddreg [dreg:$0x0];
	s2 =	stileid.u32  }
0x45: {  	s1 =	rddreg [dreg:$0x1];
	p0 =	sne.s32 s2, $0x0  }
0x46: {  	s3 =	rddreg [dreg:$0x2];
	[bflag:$0x3] =	sbarrier.arrive $0xFFFF;
	s2 =	simm.s32 @!p0 $0x1C01  }
0x47: {  	[timem:s3], [sflag:s2] =	dma.local @!p0 [hbm:s0], s1  }
0x48: {  	s0 =	simm.s32 @!p0 $0x1  }
0x49: {  	_ =	swait.ge @!p0 [sflag:s0], s1  }
0x4a: {  	s1 =	ssub.s32 @!p0 $0x0, s1;
	[sflag:s0] =	ssyncset.done @!p0 $0x0  }
0x4b: {  	[sflag:s0] =	ssyncadd.s32 @!p0 s1  }
0x4c: {  	[bflag:$0x3] =	sbarrier.arrive $0xFFFF  }
0x4d: {  	_ =	shalt  }

</sc_bundles>
